<compile_context>
chip_gen: v7x
topology: tpu7x:2x2x1
jax: 0.10.2.dev20260603
libtpu: 0.0.44.dev20260713+nightly
codegen_flags: <defaults>
</compile_context>

<pallas_src>
import functools

import jax
import jax.numpy as jnp
from jax import lax
from jax.experimental import pallas as pl
from jax.experimental.pallas import tpu as pltpu
from jax.experimental.pallas import tpu_sc as plsc

N = 10000
D = 128
E = 320000
NC = 2
NS = 16
LANES = 16
NW = NC * NS
CHUNK = 128
CPW = 80
CPW0 = 144
CPW1 = 16
SSZ = 16
EPW = CPW * CHUNK
E_PAD = NW * EPW
N_ACC = 10240
RPS = N_ACC // NS
BLK = 1000


def _mesh():
    return plsc.VectorSubcoreMesh(
        core_axis_name="c", subcore_axis_name="s",
        num_cores=NC, num_subcores=NS)



def _hist_body(dst_hbm, out_hbm, idxbuf, deg):
    c = lax.axis_index("c")
    s = lax.axis_index("s")
    w = c * NS + s

    def zero(i, _):
        deg[pl.ds(i * LANES, LANES)] = jnp.zeros((LANES,), jnp.float32)
        return 0
    lax.fori_loop(0, N_ACC // LANES, zero, 0)

    pltpu.sync_copy(dst_hbm.at[pl.ds(w * CPW, CPW)], idxbuf)
    ones = jnp.ones((LANES,), jnp.float32)

    def chunk(j, _):
        def sub(k, _2):
            idx = idxbuf[j, pl.ds(k * LANES, LANES)]
            plsc.addupdate_scatter(deg, [idx], ones)
            return 0
        lax.fori_loop(0, CHUNK // LANES, sub, 0)
        return 0
    lax.fori_loop(0, CPW, chunk, 0)

    pltpu.sync_copy(deg, out_hbm.at[w])


_hist = functools.partial(
    pl.kernel,
    out_type=jax.ShapeDtypeStruct((NW, N_ACC), jnp.float32),
    mesh=_mesh(),
    scratch_types=[
        pltpu.VMEM((CPW, CHUNK), jnp.int32),
        pltpu.VMEM((N_ACC,), jnp.float32),
    ],
    compiler_params=pltpu.CompilerParams(needs_layout_passes=False),
)(_hist_body)



def _scat_body(y_hbm, src_hbm, dst_hbm, out_hbm, sbuf, dbuf, rows_a, rows_b,
               acc, sem_a, sem_b):
    c = lax.axis_index("c")
    s = lax.axis_index("s")
    w = c * NS + s

    def zero(i, _):
        for jj in range(D // LANES):
            rows_a[i, pl.ds(jj * LANES, LANES)] = jnp.zeros((LANES,),
                                                            jnp.float32)
        return 0
    lax.fori_loop(0, CHUNK, zero, 0)
    for k in range(RPS // CHUNK):
        pltpu.sync_copy(rows_a, acc.at[pl.ds(s * RPS + k * CHUNK, CHUNK)])

    plsc.subcore_barrier()

    def gather(j, buf, sem):
        pltpu.async_copy(y_hbm.at[sbuf.at[j]], buf, sem)

    def drain(j, buf, sem):
        pltpu.make_async_copy(y_hbm.at[sbuf.at[j]], buf, sem).wait()

    def scat(j, buf):
        pltpu.sync_copy(buf, acc.at[dbuf.at[j]], add=True)

    row0 = jnp.where(c == 0, s * CPW0, NS * CPW0 + s * CPW1)
    nstages = jnp.where(c == 0, CPW0 // SSZ, CPW1 // SSZ)

    def stage_fn(h, _):
        base = row0 + h * SSZ
        pltpu.sync_copy(src_hbm.at[pl.ds(base, SSZ)], sbuf)
        pltpu.sync_copy(dst_hbm.at[pl.ds(base, SSZ)], dbuf)
        gather(0, rows_a, sem_a)

        def pair(i, _2):
            ja = 2 * i
            jb = 2 * i + 1
            gather(jb, rows_b, sem_b)
            drain(ja, rows_a, sem_a)
            scat(ja, rows_a)
            gather(ja + 2, rows_a, sem_a)
            drain(jb, rows_b, sem_b)
            scat(jb, rows_b)
            return 0
        lax.fori_loop(0, (SSZ - 2) // 2, pair, 0)

        gather(SSZ - 1, rows_b, sem_b)
        drain(SSZ - 2, rows_a, sem_a)
        scat(SSZ - 2, rows_a)
        drain(SSZ - 1, rows_b, sem_b)
        scat(SSZ - 1, rows_b)
        return 0
    lax.fori_loop(0, nstages, stage_fn, 0)

    plsc.subcore_barrier()
    pltpu.sync_copy(acc.at[pl.ds(s * RPS, RPS)],
                    out_hbm.at[c, pl.ds(s * RPS, RPS)])


_scat = functools.partial(
    pl.kernel,
    out_type=jax.ShapeDtypeStruct((NC, N_ACC, D), jnp.float32),
    mesh=_mesh(),
    scratch_types=[
        pltpu.VMEM((SSZ, CHUNK), jnp.int32),
        pltpu.VMEM((SSZ, CHUNK), jnp.int32),
        pltpu.VMEM((CHUNK, D), jnp.float32),
        pltpu.VMEM((CHUNK, D), jnp.float32),
        pltpu.VMEM_SHARED((N_ACC, D), jnp.float32),
        pltpu.SemaphoreType.DMA,
        pltpu.SemaphoreType.DMA,
    ],
)(_scat_body)



def _mm_body(x_ref, w_ref, xw_ref):
    xw_ref[...] = jnp.dot(x_ref[...], w_ref[...],
                          preferred_element_type=jnp.float32)


_mm = pl.pallas_call(
    _mm_body,
    grid=(N // BLK,),
    in_specs=[
        pl.BlockSpec((BLK, D), lambda i: (i, 0)),
        pl.BlockSpec((D, D), lambda i: (0, 0)),
    ],
    out_specs=pl.BlockSpec((BLK, D), lambda i: (i, 0)),
    out_shape=jax.ShapeDtypeStruct((N, D), jnp.float32),
)


def _mid_body(xw_ref, degp_ref, y_ref):
    deg = jnp.sum(degp_ref[...], axis=1, keepdims=True) + 1.0
    y_ref[...] = xw_ref[...] * lax.rsqrt(deg)


_mid = pl.pallas_call(
    _mid_body,
    grid=(N // BLK,),
    in_specs=[
        pl.BlockSpec((BLK, D), lambda i: (i, 0)),
        pl.BlockSpec((BLK, NW), lambda i: (i, 0)),
    ],
    out_specs=pl.BlockSpec((BLK, D), lambda i: (i, 0)),
    out_shape=jax.ShapeDtypeStruct((N, D), jnp.float32),
)



def _epi_body(aggp_ref, y_ref, x_ref, degp_ref, b_ref, g_ref, bt_ref, o_ref):
    deg = jnp.sum(degp_ref[...], axis=1, keepdims=True) + 1.0
    dinv = lax.rsqrt(deg)
    t = dinv * (aggp_ref[0] + aggp_ref[1] + y_ref[...]) + b_ref[...] + x_ref[...]
    mu = jnp.mean(t, axis=-1, keepdims=True)
    var = jnp.mean((t - mu) ** 2, axis=-1, keepdims=True)
    t = (t - mu) * lax.rsqrt(var + 1e-5) * g_ref[...] + bt_ref[...]
    o_ref[...] = jnp.maximum(t, 0.0)


_epi = pl.pallas_call(
    _epi_body,
    grid=(N // BLK,),
    in_specs=[
        pl.BlockSpec((NC, BLK, D), lambda i: (0, i, 0)),
        pl.BlockSpec((BLK, D), lambda i: (i, 0)),
        pl.BlockSpec((BLK, D), lambda i: (i, 0)),
        pl.BlockSpec((BLK, NW), lambda i: (i, 0)),
        pl.BlockSpec((1, D), lambda i: (0, 0)),
        pl.BlockSpec((1, D), lambda i: (0, 0)),
        pl.BlockSpec((1, D), lambda i: (0, 0)),
    ],
    out_specs=pl.BlockSpec((BLK, D), lambda i: (i, 0)),
    out_shape=jax.ShapeDtypeStruct((N, D), jnp.float32),
)


def kernel(x, edge_index, W, b, gamma, beta):
    src = edge_index[0]
    dst = edge_index[1]
    pad = E_PAD - E
    src_p = jnp.concatenate(
        [src, jnp.zeros((pad,), jnp.int32)]).reshape(NW * CPW, CHUNK)
    dst_p = jnp.concatenate(
        [dst, jnp.full((pad,), N, jnp.int32)]).reshape(NW * CPW, CHUNK)
    xw = _mm(x, W)
    degp = _hist(dst_p).T
    y = _mid(xw, degp)
    aggp = _scat(y, src_p, dst_p)
    return _epi(aggp, y, x, degp,
                b.reshape(1, D), gamma.reshape(1, D), beta.reshape(1, D))

# --- scband reference (transcript-rebuilt; emitter-appended) ---
"""Pipeline reference for scband-gnnlayer-62156766708258 (READ-ONLY COPY).

The authoritative reference and input builder live on the scoring server;
editing this copy changes nothing except your own understanding.
"""

import jax, jax.numpy as jnp
import numpy as np

N_NODES = 10000
N_EDGES = 320000
D = 128

def setup_inputs(seed: int = 0) -> dict:
    key = jax.random.key(seed)
    k1, k2, k3, k4 = jax.random.split(key, 4)
    x = jax.random.normal(k1, (N_NODES, D), dtype=jnp.float32)
    edge_index = jax.random.randint(k2, (2, N_EDGES), 0, N_NODES, dtype=jnp.int32)
    W = jax.random.normal(k3, (D, D), dtype=jnp.float32) * 0.05
    b = jnp.zeros((D,), dtype=jnp.float32)
    gamma = jnp.ones((D,), dtype=jnp.float32)
    beta = jnp.zeros((D,), dtype=jnp.float32)
    return {"x": x, "edge_index": edge_index, "W": W, "b": b, "gamma": gamma, "beta": beta}

def reference(x, edge_index, W, b, gamma, beta):
    # GCNConv (PyG semantics): add self loops, symmetric normalization,
    # x' = D^{-1/2} (A+I) D^{-1/2} X W + b, then residual + LayerNorm + ReLU.
    # Dropout is identity in eval mode.
    N = x.shape[0]
    loop = jnp.arange(N, dtype=edge_index.dtype)
    src = jnp.concatenate([edge_index[0], loop])
    dst = jnp.concatenate([edge_index[1], loop])
    xw = x @ W  # linear transform first (out <= in path)
    deg = jnp.zeros((N,), dtype=xw.dtype).at[dst].add(1.0)
    deg_inv_sqrt = jnp.where(deg > 0, 1.0 / jnp.sqrt(deg), 0.0)
    norm = deg_inv_sqrt[src] * deg_inv_sqrt[dst]
    msg = xw[src] * norm[:, None]  # gather
    agg = jnp.zeros_like(xw).at[dst].add(msg)  # scatter-add
    out = agg + b
    # residual connection (in_channels == out_channels)
    out = out + x
    # LayerNorm
    mu = jnp.mean(out, axis=-1, keepdims=True)
    var = jnp.mean((out - mu) ** 2, axis=-1, keepdims=True)
    out = (out - mu) / jnp.sqrt(var + 1e-5) * gamma + beta
    out = jax.nn.relu(out)
    return out

if __name__ == "__main__":
    import jax
    _d = setup_inputs()
    print(jax.jit(kernel)(*tuple(_d.values())))

</pallas_src>

<mosaic_0001>
#map = affine_map<(d0, d1) -> (0, 0)>
#map1 = affine_map<(d0, d1) -> (0, 0, 0)>
module attributes {stable_mosaic.version = 14 : i64} {
  func.func @_scat_body(%arg0: i32, %arg1: i32, %arg2: memref<10000x128xf32, #tpu.memory_space<hbm>>, %arg3: memref<2560x128xi32, #tpu.memory_space<hbm>>, %arg4: memref<2560x128xi32, #tpu.memory_space<hbm>>, %arg5: memref<2x10240x128xf32, #tpu.memory_space<hbm>>, %arg6: memref<16x128xi32, #tpu.memory_space<vmem>>, %arg7: memref<16x128xi32, #tpu.memory_space<vmem>>, %arg8: memref<128x128xf32, #tpu.memory_space<vmem>>, %arg9: memref<128x128xf32, #tpu.memory_space<vmem>>, %arg10: memref<10240x128xf32, #tpu.memory_space<vmem_shared>>, %arg11: memref<!tpu.dma_semaphore, #tpu.memory_space<semaphore_mem>>, %arg12: memref<!tpu.dma_semaphore, #tpu.memory_space<semaphore_mem>>) attributes {dimension_semantics = [#tpu.dimension_semantics<core_parallel>, #tpu.dimension_semantics<subcore_parallel>], iteration_bounds = array<i64: 2, 16>, scalar_prefetch = 0 : i64, scratch_operands = 7 : i64, tpu.core_type = #tpu.core_type<sc_vector_subcore>, window_params = [{transform_indices = #map}, {transform_indices = #map}, {transform_indices = #map}, {transform_indices = #map1}]} {
    %mul3A = arith.constant 16 : i32
    %mul3A_0 = arith.muli %arg0, %mul3A : i32
    %add3A = arith.addi %mul3A_0, %arg1 : i32
    %scan3A = arith.constant 0 : i32
    %scan3A_1 = arith.constant 0 : i32
    %scan3A_2 = arith.constant 128 : i32
    %scan3A_3 = arith.addi %scan3A_1, %scan3A_2 : i32
    %scan3A_4 = arith.constant 1 : i32
    %scan3A_5 = scf.for %scan3A_54 = %scan3A_1 to %scan3A_3 step %scan3A_4 iter_args(%scan3A_55 = %scan3A) -> (i32)  : i32 {
      %broadcast_in_dim3A = arith.constant 0.000000e+00 : f32
      %broadcast_in_dim3A_56 = vector.broadcast %broadcast_in_dim3A : f32 to vector<16xf32>
      %swap3A = arith.index_cast %scan3A_54 : i32 to index
      %swap3A_57 = arith.constant 0 : index
      %swap3A_58 = tpu.vector_load %arg8[%swap3A, %swap3A_57] {strides = array<i32>} : memref<128x128xf32, #tpu.memory_space<vmem>>, vector<1x16xf32>,
      %swap3A_59 = vector.shape_cast %swap3A_58 : vector<1x16xf32> to vector<16xf32>
      %swap3A_60 = vector.shape_cast %broadcast_in_dim3A_56 : vector<16xf32> to vector<1x16xf32>
      tpu.vector_store %arg8[%swap3A, %swap3A_57], %swap3A_60 {strides = array<i32>} : memref<128x128xf32, #tpu.memory_space<vmem>>, vector<1x16xf32>,
      %broadcast_in_dim3A_61 = arith.constant 0.000000e+00 : f32
      %broadcast_in_dim3A_62 = vector.broadcast %broadcast_in_dim3A_61 : f32 to vector<16xf32>
      %swap3A_63 = arith.index_cast %scan3A_54 : i32 to index
      %swap3A_64 = arith.constant 16 : index
      %swap3A_65 = tpu.vector_load %arg8[%swap3A_63, %swap3A_64] {strides = array<i32>} : memref<128x128xf32, #tpu.memory_space<vmem>>, vector<1x16xf32>,
      %swap3A_66 = vector.shape_cast %swap3A_65 : vector<1x16xf32> to vector<16xf32>
      %swap3A_67 = vector.shape_cast %broadcast_in_dim3A_62 : vector<16xf32> to vector<1x16xf32>
      tpu.vector_store %arg8[%swap3A_63, %swap3A_64], %swap3A_67 {strides = array<i32>} : memref<128x128xf32, #tpu.memory_space<vmem>>, vector<1x16xf32>,
      %broadcast_in_dim3A_68 = arith.constant 0.000000e+00 : f32
      %broadcast_in_dim3A_69 = vector.broadcast %broadcast_in_dim3A_68 : f32 to vector<16xf32>
      %swap3A_70 = arith.index_cast %scan3A_54 : i32 to index
      %swap3A_71 = arith.constant 32 : index
      %swap3A_72 = tpu.vector_load %arg8[%swap3A_70, %swap3A_71] {strides = array<i32>} : memref<128x128xf32, #tpu.memory_space<vmem>>, vector<1x16xf32>,
      %swap3A_73 = vector.shape_cast %swap3A_72 : vector<1x16xf32> to vector<16xf32>
      %swap3A_74 = vector.shape_cast %broadcast_in_dim3A_69 : vector<16xf32> to vector<1x16xf32>
      tpu.vector_store %arg8[%swap3A_70, %swap3A_71], %swap3A_74 {strides = array<i32>} : memref<128x128xf32, #tpu.memory_space<vmem>>, vector<1x16xf32>,
      %broadcast_in_dim3A_75 = arith.constant 0.000000e+00 : f32
      %broadcast_in_dim3A_76 = vector.broadcast %broadcast_in_dim3A_75 : f32 to vector<16xf32>
      %swap3A_77 = arith.index_cast %scan3A_54 : i32 to index
      %swap3A_78 = arith.constant 48 : index
      %swap3A_79 = tpu.vector_load %arg8[%swap3A_77, %swap3A_78] {strides = array<i32>} : memref<128x128xf32, #tpu.memory_space<vmem>>, vector<1x16xf32>,
      %swap3A_80 = vector.shape_cast %swap3A_79 : vector<1x16xf32> to vector<16xf32>
      %swap3A_81 = vector.shape_cast %broadcast_in_dim3A_76 : vector<16xf32> to vector<1x16xf32>
      tpu.vector_store %arg8[%swap3A_77, %swap3A_78], %swap3A_81 {strides = array<i32>} : memref<128x128xf32, #tpu.memory_space<vmem>>, vector<1x16xf32>,
      %broadcast_in_dim3A_82 = arith.constant 0.000000e+00 : f32
      %broadcast_in_dim3A_83 = vector.broadcast %broadcast_in_dim3A_82 : f32 to vector<16xf32>
      %swap3A_84 = arith.index_cast %scan3A_54 : i32 to index
      %swap3A_85 = arith.constant 64 : index
      %swap3A_86 = tpu.vector_load %arg8[%swap3A_84, %swap3A_85] {strides = array<i32>} : memref<128x128xf32, #tpu.memory_space<vmem>>, vector<1x16xf32>,
      %swap3A_87 = vector.shape_cast %swap3A_86 : vector<1x16xf32> to vector<16xf32>
      %swap3A_88 = vector.shape_cast %broadcast_in_dim3A_83 : vector<16xf32> to vector<1x16xf32>
      tpu.vector_store %arg8[%swap3A_84, %swap3A_85], %swap3A_88 {strides = array<i32>} : memref<128x128xf32, #tpu.memory_space<vmem>>, vector<1x16xf32>,
      %broadcast_in_dim3A_89 = arith.constant 0.000000e+00 : f32
      %broadcast_in_dim3A_90 = vector.broadcast %broadcast_in_dim3A_89 : f32 to vector<16xf32>
      %swap3A_91 = arith.index_cast %scan3A_54 : i32 to index
      %swap3A_92 = arith.constant 80 : index
      %swap3A_93 = tpu.vector_load %arg8[%swap3A_91, %swap3A_92] {strides = array<i32>} : memref<128x128xf32, #tpu.memory_space<vmem>>, vector<1x16xf32>,
      %swap3A_94 = vector.shape_cast %swap3A_93 : vector<1x16xf32> to vector<16xf32>
      %swap3A_95 = vector.shape_cast %broadcast_in_dim3A_90 : vector<16xf32> to vector<1x16xf32>
      tpu.vector_store %arg8[%swap3A_91, %swap3A_92], %swap3A_95 {strides = array<i32>} : memref<128x128xf32, #tpu.memory_space<vmem>>, vector<1x16xf32>,
      %broadcast_in_dim3A_96 = arith.constant 0.000000e+00 : f32
      %broadcast_in_dim3A_97 = vector.broadcast %broadcast_in_dim3A_96 : f32 to vector<16xf32>
      %swap3A_98 = arith.index_cast %scan3A_54 : i32 to index
      %swap3A_99 = arith.constant 96 : index
      %swap3A_100 = tpu.vector_load %arg8[%swap3A_98, %swap3A_99] {strides = array<i32>} : memref<128x128xf32, #tpu.memory_space<vmem>>, vector<1x16xf32>,
      %swap3A_101 = vector.shape_cast %swap3A_100 : vector<1x16xf32> to vector<16xf32>
      %swap3A_102 = vector.shape_cast %broadcast_in_dim3A_97 : vector<16xf32> to vector<1x16xf32>
      tpu.vector_store %arg8[%swap3A_98, %swap3A_99], %swap3A_102 {strides = array<i32>} : memref<128x128xf32, #tpu.memory_space<vmem>>, vector<1x16xf32>,
      %broadcast_in_dim3A_103 = arith.constant 0.000000e+00 : f32
      %broadcast_in_dim3A_104 = vector.broadcast %broadcast_in_dim3A_103 : f32 to vector<16xf32>
      %swap3A_105 = arith.index_cast %scan3A_54 : i32 to index
      %swap3A_106 = arith.constant 112 : index
      %swap3A_107 = tpu.vector_load %arg8[%swap3A_105, %swap3A_106] {strides = array<i32>} : memref<128x128xf32, #tpu.memory_space<vmem>>, vector<1x16xf32>,
      %swap3A_108 = vector.shape_cast %swap3A_107 : vector<1x16xf32> to vector<16xf32>
      %swap3A_109 = vector.shape_cast %broadcast_in_dim3A_104 : vector<16xf32> to vector<1x16xf32>
      tpu.vector_store %arg8[%swap3A_105, %swap3A_106], %swap3A_109 {strides = array<i32>} : memref<128x128xf32, #tpu.memory_space<vmem>>, vector<1x16xf32>,
      %scan3A_110 = arith.constant 0 : i32
      scf.yield %scan3A_110 : i32
    }
    %scan3A_6 = arith.constant 128 : i32
    %mul3A_7 = arith.constant 640 : i32
    %mul3A_8 = arith.muli %arg1, %mul3A_7 : i32
    %add3A_9 = arith.constant 0 : i32
    %add3A_10 = arith.addi %mul3A_8, %add3A_9 : i32
    "tpu.region"() ({
      %run_scoped3A = tpu.sem_alloc : memref<!tpu.dma_semaphore, #tpu.memory_space<semaphore_mem>>
      %dma_start3A = arith.constant 0 : i32
      %dma_start3A_54 = tpu.memref_slice %arg10[%add3A_10, %dma_start3A] : memref<10240x128xf32, #tpu.memory_space<vmem_shared>> -> memref<128x128xf32, #tpu.memory_space<vmem_shared>>
      %dma_start3A_55 = arith.constant 0 : i32
      %dma_start3A_56 = tpu.memref_slice %arg10[%add3A_10, %dma_start3A_55] : memref<10240x128xf32, #tpu.memory_space<vmem_shared>> -> memref<128x128xf32, #tpu.memory_space<vmem_shared>>
      tpu.enqueue_dma source(%arg8 : memref<128x128xf32, #tpu.memory_space<vmem>>) target(%dma_start3A_56 : memref<128x128xf32, #tpu.memory_space<vmem_shared>>) target_semaphore(%run_scoped3A : memref<!tpu.dma_semaphore, #tpu.memory_space<semaphore_mem>>)
      %dma_wait3A = arith.constant 0 : i32
      %dma_wait3A_57 = tpu.memref_slice %arg10[%add3A_10, %dma_wait3A] : memref<10240x128xf32, #tpu.memory_space<vmem_shared>> -> memref<128x128xf32, #tpu.memory_space<vmem_shared>>
      %dma_wait3A_58 = arith.constant 0 : i32
      %dma_wait3A_59 = tpu.memref_slice %arg10[%add3A_10, %dma_wait3A_58] : memref<10240x128xf32, #tpu.memory_space<vmem_shared>> -> memref<128x128xf32, #tpu.memory_space<vmem_shared>>
      tpu.wait_dma2 semaphore(%run_scoped3A : memref<!tpu.dma_semaphore, #tpu.memory_space<semaphore_mem>>) src(%arg8 : memref<128x128xf32, #tpu.memory_space<vmem>>) dst(%dma_wait3A_59 : memref<128x128xf32, #tpu.memory_space<vmem_shared>>)
      tpu.yield
    }) : () -> ()
    %mul3A_11 = arith.constant 640 : i32
    %mul3A_12 = arith.muli %arg1, %mul3A_11 : i32
    %add3A_13 = arith.constant 128 : i32
    %add3A_14 = arith.addi %mul3A_12, %add3A_13 : i32
    "tpu.region"() ({
      %run_scoped3A = tpu.sem_alloc : memref<!tpu.dma_semaphore, #tpu.memory_space<semaphore_mem>>
      %dma_start3A = arith.constant 0 : i32
      %dma_start3A_54 = tpu.memref_slice %arg10[%add3A_14, %dma_start3A] : memref<10240x128xf32, #tpu.memory_space<vmem_shared>> -> memref<128x128xf32, #tpu.memory_space<vmem_shared>>
      %dma_start3A_55 = arith.constant 0 : i32
      %dma_start3A_56 = tpu.memref_slice %arg10[%add3A_14, %dma_start3A_55] : memref<10240x128xf32, #tpu.memory_space<vmem_shared>> -> memref<128x128xf32, #tpu.memory_space<vmem_shared>>
      tpu.enqueue_dma source(%arg8 : memref<128x128xf32, #tpu.memory_space<vmem>>) target(%dma_start3A_56 : memref<128x128xf32, #tpu.memory_space<vmem_shared>>) target_semaphore(%run_scoped3A : memref<!tpu.dma_semaphore, #tpu.memory_space<semaphore_mem>>)
      %dma_wait3A = arith.constant 0 : i32
      %dma_wait3A_57 = tpu.memref_slice %arg10[%add3A_14, %dma_wait3A] : memref<10240x128xf32, #tpu.memory_space<vmem_shared>> -> memref<128x128xf32, #tpu.memory_space<vmem_shared>>
      %dma_wait3A_58 = arith.constant 0 : i32
      %dma_wait3A_59 = tpu.memref_slice %arg10[%add3A_14, %dma_wait3A_58] : memref<10240x128xf32, #tpu.memory_space<vmem_shared>> -> memref<128x128xf32, #tpu.memory_space<vmem_shared>>
      tpu.wait_dma2 semaphore(%run_scoped3A : memref<!tpu.dma_semaphore, #tpu.memory_space<semaphore_mem>>) src(%arg8 : memref<128x128xf32, #tpu.memory_space<vmem>>) dst(%dma_wait3A_59 : memref<128x128xf32, #tpu.memory_space<vmem_shared>>)
      tpu.yield
    }) : () -> ()
    %mul3A_15 = arith.constant 640 : i32
    %mul3A_16 = arith.muli %arg1, %mul3A_15 : i32
    %add3A_17 = arith.constant 256 : i32
    %add3A_18 = arith.addi %mul3A_16, %add3A_17 : i32
    "tpu.region"() ({
      %run_scoped3A = tpu.sem_alloc : memref<!tpu.dma_semaphore, #tpu.memory_space<semaphore_mem>>
      %dma_start3A = arith.constant 0 : i32
      %dma_start3A_54 = tpu.memref_slice %arg10[%add3A_18, %dma_start3A] : memref<10240x128xf32, #tpu.memory_space<vmem_shared>> -> memref<128x128xf32, #tpu.memory_space<vmem_shared>>
      %dma_start3A_55 = arith.constant 0 : i32
      %dma_start3A_56 = tpu.memref_slice %arg10[%add3A_18, %dma_start3A_55] : memref<10240x128xf32, #tpu.memory_space<vmem_shared>> -> memref<128x128xf32, #tpu.memory_space<vmem_shared>>
      tpu.enqueue_dma source(%arg8 : memref<128x128xf32, #tpu.memory_space<vmem>>) target(%dma_start3A_56 : memref<128x128xf32, #tpu.memory_space<vmem_shared>>) target_semaphore(%run_scoped3A : memref<!tpu.dma_semaphore, #tpu.memory_space<semaphore_mem>>)
      %dma_wait3A = arith.constant 0 : i32
      %dma_wait3A_57 = tpu.memref_slice %arg10[%add3A_18, %dma_wait3A] : memref<10240x128xf32, #tpu.memory_space<vmem_shared>> -> memref<128x128xf32, #tpu.memory_space<vmem_shared>>
      %dma_wait3A_58 = arith.constant 0 : i32
      %dma_wait3A_59 = tpu.memref_slice %arg10[%add3A_18, %dma_wait3A_58] : memref<10240x128xf32, #tpu.memory_space<vmem_shared>> -> memref<128x128xf32, #tpu.memory_space<vmem_shared>>
      tpu.wait_dma2 semaphore(%run_scoped3A : memref<!tpu.dma_semaphore, #tpu.memory_space<semaphore_mem>>) src(%arg8 : memref<128x128xf32, #tpu.memory_space<vmem>>) dst(%dma_wait3A_59 : memref<128x128xf32, #tpu.memory_space<vmem_shared>>)
      tpu.yield
    }) : () -> ()
    %mul3A_19 = arith.constant 640 : i32
    %mul3A_20 = arith.muli %arg1, %mul3A_19 : i32
    %add3A_21 = arith.constant 384 : i32
    %add3A_22 = arith.addi %mul3A_20, %add3A_21 : i32
    "tpu.region"() ({
      %run_scoped3A = tpu.sem_alloc : memref<!tpu.dma_semaphore, #tpu.memory_space<semaphore_mem>>
      %dma_start3A = arith.constant 0 : i32
      %dma_start3A_54 = tpu.memref_slice %arg10[%add3A_22, %dma_start3A] : memref<10240x128xf32, #tpu.memory_space<vmem_shared>> -> memref<128x128xf32, #tpu.memory_space<vmem_shared>>
      %dma_start3A_55 = arith.constant 0 : i32
      %dma_start3A_56 = tpu.memref_slice %arg10[%add3A_22, %dma_start3A_55] : memref<10240x128xf32, #tpu.memory_space<vmem_shared>> -> memref<128x128xf32, #tpu.memory_space<vmem_shared>>
      tpu.enqueue_dma source(%arg8 : memref<128x128xf32, #tpu.memory_space<vmem>>) target(%dma_start3A_56 : memref<128x128xf32, #tpu.memory_space<vmem_shared>>) target_semaphore(%run_scoped3A : memref<!tpu.dma_semaphore, #tpu.memory_space<semaphore_mem>>)
      %dma_wait3A = arith.constant 0 : i32
      %dma_wait3A_57 = tpu.memref_slice %arg10[%add3A_22, %dma_wait3A] : memref<10240x128xf32, #tpu.memory_space<vmem_shared>> -> memref<128x128xf32, #tpu.memory_space<vmem_shared>>
      %dma_wait3A_58 = arith.constant 0 : i32
      %dma_wait3A_59 = tpu.memref_slice %arg10[%add3A_22, %dma_wait3A_58] : memref<10240x128xf32, #tpu.memory_space<vmem_shared>> -> memref<128x128xf32, #tpu.memory_space<vmem_shared>>
      tpu.wait_dma2 semaphore(%run_scoped3A : memref<!tpu.dma_semaphore, #tpu.memory_space<semaphore_mem>>) src(%arg8 : memref<128x128xf32, #tpu.memory_space<vmem>>) dst(%dma_wait3A_59 : memref<128x128xf32, #tpu.memory_space<vmem_shared>>)
      tpu.yield
    }) : () -> ()
    %mul3A_23 = arith.constant 640 : i32
    %mul3A_24 = arith.muli %arg1, %mul3A_23 : i32
    %add3A_25 = arith.constant 512 : i32
    %add3A_26 = arith.addi %mul3A_24, %add3A_25 : i32
    "tpu.region"() ({
      %run_scoped3A = tpu.sem_alloc : memref<!tpu.dma_semaphore, #tpu.memory_space<semaphore_mem>>
      %dma_start3A = arith.constant 0 : i32
      %dma_start3A_54 = tpu.memref_slice %arg10[%add3A_26, %dma_start3A] : memref<10240x128xf32, #tpu.memory_space<vmem_shared>> -> memref<128x128xf32, #tpu.memory_space<vmem_shared>>
      %dma_start3A_55 = arith.constant 0 : i32
      %dma_start3A_56 = tpu.memref_slice %arg10[%add3A_26, %dma_start3A_55] : memref<10240x128xf32, #tpu.memory_space<vmem_shared>> -> memref<128x128xf32, #tpu.memory_space<vmem_shared>>
      tpu.enqueue_dma source(%arg8 : memref<128x128xf32, #tpu.memory_space<vmem>>) target(%dma_start3A_56 : memref<128x128xf32, #tpu.memory_space<vmem_shared>>) target_semaphore(%run_scoped3A : memref<!tpu.dma_semaphore, #tpu.memory_space<semaphore_mem>>)
      %dma_wait3A = arith.constant 0 : i32
      %dma_wait3A_57 = tpu.memref_slice %arg10[%add3A_26, %dma_wait3A] : memref<10240x128xf32, #tpu.memory_space<vmem_shared>> -> memref<128x128xf32, #tpu.memory_space<vmem_shared>>
      %dma_wait3A_58 = arith.constant 0 : i32
      %dma_wait3A_59 = tpu.memref_slice %arg10[%add3A_26, %dma_wait3A_58] : memref<10240x128xf32, #tpu.memory_space<vmem_shared>> -> memref<128x128xf32, #tpu.memory_space<vmem_shared>>
      tpu.wait_dma2 semaphore(%run_scoped3A : memref<!tpu.dma_semaphore, #tpu.memory_space<semaphore_mem>>) src(%arg8 : memref<128x128xf32, #tpu.memory_space<vmem>>) dst(%dma_wait3A_59 : memref<128x128xf32, #tpu.memory_space<vmem_shared>>)
      tpu.yield
    }) : () -> ()
    %barrier3A = arith.constant 0 : index
    tpu.barrier barrier_id(%barrier3A)
    %eq3A = arith.constant 0 : i32
    %eq3A_27 = arith.cmpi eq, %arg0, %eq3A : i32
    %mul3A_28 = arith.constant 144 : i32
    %mul3A_29 = arith.muli %arg1, %mul3A_28 : i32
    %mul3A_30 = arith.constant 16 : i32
    %mul3A_31 = arith.muli %arg1, %mul3A_30 : i32
    %add3A_32 = arith.constant 2304 : i32
    %add3A_33 = arith.addi %add3A_32, %mul3A_31 : i32
    %select_n3A = arith.select %eq3A_27, %mul3A_29, %add3A_33 : i32
    %eq3A_34 = arith.constant 0 : i32
    %eq3A_35 = arith.cmpi eq, %arg0, %eq3A_34 : i32
    %jit3A = arith.constant 9 : i32
    %jit3A_36 = arith.constant 1 : i32
    %select_n3A_37 = arith.select %eq3A_35, %jit3A, %jit3A_36 : i32
    %while3A = arith.constant 0 : i32
    %while3A_38 = arith.constant 0 : i32
    %while3A_39 = arith.subi %select_n3A_37, %while3A : i32
    %while3A_40 = arith.addi %while3A, %while3A_39 : i32
    %while3A_41 = arith.constant 1 : i32
    %while3A_42 = arith.divsi %while3A_39, %while3A_41 : i32
    %while3A_43 = arith.muli %while3A_42, %while3A_41 : i32
    %while3A_44 = arith.addi %while3A, %while3A_43 : i32
    %while3A_45 = arith.constant 1 : i32
    %while3A_46 = scf.for %while3A_54 = %while3A to %while3A_44 step %while3A_45 iter_args(%while3A_55 = %while3A_38) -> (i32)  : i32 {
      %mul3A_56 = arith.constant 16 : i32
      %mul3A_57 = arith.muli %while3A_54, %mul3A_56 : i32
      %add3A_58 = arith.addi %select_n3A, %mul3A_57 : i32
      "tpu.region"() ({
        %run_scoped3A_94 = tpu.sem_alloc : memref<!tpu.dma_semaphore, #tpu.memory_space<semaphore_mem>>
        %dma_start3A_95 = arith.constant 0 : i32
        %dma_start3A_96 = tpu.memref_slice %arg3[%add3A_58, %dma_start3A_95] : memref<2560x128xi32, #tpu.memory_space<hbm>> -> memref<16x128xi32, #tpu.memory_space<hbm>>
        %dma_start3A_97 = arith.constant 0 : i32
        %dma_start3A_98 = tpu.memref_slice %arg3[%add3A_58, %dma_start3A_97] : memref<2560x128xi32, #tpu.memory_space<hbm>> -> memref<16x128xi32, #tpu.memory_space<hbm>>
        tpu.enqueue_dma source(%dma_start3A_98 : memref<16x128xi32, #tpu.memory_space<hbm>>) target(%arg6 : memref<16x128xi32, #tpu.memory_space<vmem>>) target_semaphore(%run_scoped3A_94 : memref<!tpu.dma_semaphore, #tpu.memory_space<semaphore_mem>>)
        %dma_wait3A_99 = arith.constant 0 : i32
        %dma_wait3A_100 = tpu.memref_slice %arg3[%add3A_58, %dma_wait3A_99] : memref<2560x128xi32, #tpu.memory_space<hbm>> -> memref<16x128xi32, #tpu.memory_space<hbm>>
        %dma_wait3A_101 = arith.constant 0 : i32
        %dma_wait3A_102 = tpu.memref_slice %arg3[%add3A_58, %dma_wait3A_101] : memref<2560x128xi32, #tpu.memory_space<hbm>> -> memref<16x128xi32, #tpu.memory_space<hbm>>
        tpu.wait_dma2 semaphore(%run_scoped3A_94 : memref<!tpu.dma_semaphore, #tpu.memory_space<semaphore_mem>>) src(%dma_wait3A_102 : memref<16x128xi32, #tpu.memory_space<hbm>>) dst(%arg6 : memref<16x128xi32, #tpu.memory_space<vmem>>)
        tpu.yield
      }) : () -> ()
      "tpu.region"() ({
        %run_scoped3A_94 = tpu.sem_alloc : memref<!tpu.dma_semaphore, #tpu.memory_space<semaphore_mem>>
        %dma_start3A_95 = arith.constant 0 : i32
        %dma_start3A_96 = tpu.memref_slice %arg4[%add3A_58, %dma_start3A_95] : memref<2560x128xi32, #tpu.memory_space<hbm>> -> memref<16x128xi32, #tpu.memory_space<hbm>>
        %dma_start3A_97 = arith.constant 0 : i32
        %dma_start3A_98 = tpu.memref_slice %arg4[%add3A_58, %dma_start3A_97] : memref<2560x128xi32, #tpu.memory_space<hbm>> -> memref<16x128xi32, #tpu.memory_space<hbm>>
        tpu.enqueue_dma source(%dma_start3A_98 : memref<16x128xi32, #tpu.memory_space<hbm>>) target(%arg7 : memref<16x128xi32, #tpu.memory_space<vmem>>) target_semaphore(%run_scoped3A_94 : memref<!tpu.dma_semaphore, #tpu.memory_space<semaphore_mem>>)
        %dma_wait3A_99 = arith.constant 0 : i32
        %dma_wait3A_100 = tpu.memref_slice %arg4[%add3A_58, %dma_wait3A_99] : memref<2560x128xi32, #tpu.memory_space<hbm>> -> memref<16x128xi32, #tpu.memory_space<hbm>>
        %dma_wait3A_101 = arith.constant 0 : i32
        %dma_wait3A_102 = tpu.memref_slice %arg4[%add3A_58, %dma_wait3A_101] : memref<2560x128xi32, #tpu.memory_space<hbm>> -> memref<16x128xi32, #tpu.memory_space<hbm>>
        tpu.wait_dma2 semaphore(%run_scoped3A_94 : memref<!tpu.dma_semaphore, #tpu.memory_space<semaphore_mem>>) src(%dma_wait3A_102 : memref<16x128xi32, #tpu.memory_space<hbm>>) dst(%arg7 : memref<16x128xi32, #tpu.memory_space<vmem>>)
        tpu.yield
      }) : () -> ()
      %dma_start3A = arith.constant 0 : i32
      %dma_start3A_59 = arith.constant 0 : i32
      %dma_start3A_60 = tpu.memref_slice %arg6[%dma_start3A, %dma_start3A_59] : memref<16x128xi32, #tpu.memory_space<vmem>> -> memref<1x128xi32, #tpu.memory_space<vmem>>
      %dma_start3A_61 = tpu.memref_squeeze %dma_start3A_60 : memref<1x128xi32, #tpu.memory_space<vmem>> -> memref<128xi32, #tpu.memory_space<vmem>>
      %dma_start3A_62 = arith.constant 0 : i32
      %dma_start3A_63 = arith.constant 0 : i32
      %dma_start3A_64 = tpu.memref_slice %arg2[%dma_start3A_62, %dma_start3A_63] : memref<10000x128xf32, #tpu.memory_space<hbm>> -> memref<10000x128xf32, #tpu.memory_space<hbm>>
      tpu.enqueue_indirect_dma source(%dma_start3A_64 : memref<10000x128xf32, #tpu.memory_space<hbm>>) target(%arg8 : memref<128x128xf32, #tpu.memory_space<vmem>>) offsets(%dma_start3A_61 : memref<128xi32, #tpu.memory_space<vmem>>) semaphore(%arg11 : memref<!tpu.dma_semaphore, #tpu.memory_space<semaphore_mem>>)
      %scan3A_65 = arith.constant 0 : i32
      %scan3A_66 = arith.constant 0 : i32
      %scan3A_67 = arith.constant 7 : i32
      %scan3A_68 = arith.addi %scan3A_66, %scan3A_67 : i32
      %scan3A_69 = arith.constant 1 : i32
      %scan3A_70 = scf.for %scan3A_94 = %scan3A_66 to %scan3A_68 step %scan3A_69 iter_args(%scan3A_95 = %scan3A_65) -> (i32)  : i32 {
        %mul3A_96 = arith.constant 2 : i32
        %mul3A_97 = arith.muli %mul3A_96, %scan3A_94 : i32
        %mul3A_98 = arith.constant 2 : i32
        %mul3A_99 = arith.muli %mul3A_98, %scan3A_94 : i32
        %add3A_100 = arith.constant 1 : i32
        %add3A_101 = arith.addi %mul3A_99, %add3A_100 : i32
        %dma_start3A_102 = arith.constant 0 : i32
        %dma_start3A_103 = tpu.memref_slice %arg6[%add3A_101, %dma_start3A_102] : memref<16x128xi32, #tpu.memory_space<vmem>> -> memref<1x128xi32, #tpu.memory_space<vmem>>
        %dma_start3A_104 = tpu.memref_squeeze %dma_start3A_103 : memref<1x128xi32, #tpu.memory_space<vmem>> -> memref<128xi32, #tpu.memory_space<vmem>>
        %dma_start3A_105 = arith.constant 0 : i32
        %dma_start3A_106 = arith.constant 0 : i32
        %dma_start3A_107 = tpu.memref_slice %arg2[%dma_start3A_105, %dma_start3A_106] : memref<10000x128xf32, #tpu.memory_space<hbm>> -> memref<10000x128xf32, #tpu.memory_space<hbm>>
        tpu.enqueue_indirect_dma source(%dma_start3A_107 : memref<10000x128xf32, #tpu.memory_space<hbm>>) target(%arg9 : memref<128x128xf32, #tpu.memory_space<vmem>>) offsets(%dma_start3A_104 : memref<128xi32, #tpu.memory_space<vmem>>) semaphore(%arg12 : memref<!tpu.dma_semaphore, #tpu.memory_space<semaphore_mem>>)
        %dma_wait3A_108 = arith.constant 0 : i32
        %dma_wait3A_109 = tpu.memref_slice %arg6[%mul3A_97, %dma_wait3A_108] : memref<16x128xi32, #tpu.memory_space<vmem>> -> memref<1x128xi32, #tpu.memory_space<vmem>>
        %dma_wait3A_110 = tpu.memref_squeeze %dma_wait3A_109 : memref<1x128xi32, #tpu.memory_space<vmem>> -> memref<128xi32, #tpu.memory_space<vmem>>
        %dma_wait3A_111 = arith.constant 0 : i32
        %dma_wait3A_112 = arith.constant 0 : i32
        %dma_wait3A_113 = tpu.memref_slice %arg2[%dma_wait3A_111, %dma_wait3A_112] : memref<10000x128xf32, #tpu.memory_space<hbm>> -> memref<10000x128xf32, #tpu.memory_space<hbm>>
        tpu.wait_indirect_dma semaphore(%arg11 : memref<!tpu.dma_semaphore, #tpu.memory_space<semaphore_mem>>) src(%dma_wait3A_113 : memref<10000x128xf32, #tpu.memory_space<hbm>>) dst(%arg8 : memref<128x128xf32, #tpu.memory_space<vmem>>)
        "tpu.region"() ({
          %run_scoped3A_129 = tpu.sem_alloc : memref<!tpu.dma_semaphore, #tpu.memory_space<semaphore_mem>>
          %dma_start3A_130 = arith.constant 0 : i32
          %dma_start3A_131 = tpu.memref_slice %arg7[%mul3A_97, %dma_start3A_130] : memref<16x128xi32, #tpu.memory_space<vmem>> -> memref<1x128xi32, #tpu.memory_space<vmem>>
          %dma_start3A_132 = tpu.memref_squeeze %dma_start3A_131 : memref<1x128xi32, #tpu.memory_space<vmem>> -> memref<128xi32, #tpu.memory_space<vmem>>
          %dma_start3A_133 = arith.constant 0 : i32
          %dma_start3A_134 = arith.constant 0 : i32
          %dma_start3A_135 = tpu.memref_slice %arg10[%dma_start3A_133, %dma_start3A_134] : memref<10240x128xf32, #tpu.memory_space<vmem_shared>> -> memref<10240x128xf32, #tpu.memory_space<vmem_shared>>
          tpu.enqueue_indirect_dma source(%arg8 : memref<128x128xf32, #tpu.memory_space<vmem>>) target(%dma_start3A_135 : memref<10240x128xf32, #tpu.memory_space<vmem_shared>>) offsets(%dma_start3A_132 : memref<128xi32, #tpu.memory_space<vmem>>) semaphore(%run_scoped3A_129 : memref<!tpu.dma_semaphore, #tpu.memory_space<semaphore_mem>>) {add = true}
          %dma_wait3A_136 = arith.constant 0 : i32
          %dma_wait3A_137 = tpu.memref_slice %arg7[%mul3A_97, %dma_wait3A_136] : memref<16x128xi32, #tpu.memory_space<vmem>> -> memref<1x128xi32, #tpu.memory_space<vmem>>
          %dma_wait3A_138 = tpu.memref_squeeze %dma_wait3A_137 : memref<1x128xi32, #tpu.memory_space<vmem>> -> memref<128xi32, #tpu.memory_space<vmem>>
          %dma_wait3A_139 = arith.constant 0 : i32
          %dma_wait3A_140 = arith.constant 0 : i32
          %dma_wait3A_141 = tpu.memref_slice %arg10[%dma_wait3A_139, %dma_wait3A_140] : memref<10240x128xf32, #tpu.memory_space<vmem_shared>> -> memref<10240x128xf32, #tpu.memory_space<vmem_shared>>
          tpu.wait_indirect_dma semaphore(%run_scoped3A_129 : memref<!tpu.dma_semaphore, #tpu.memory_space<semaphore_mem>>) src(%arg8 : memref<128x128xf32, #tpu.memory_space<vmem>>) dst(%dma_wait3A_141 : memref<10240x128xf32, #tpu.memory_space<vmem_shared>>)
          tpu.yield
        }) : () -> ()
        %add3A_114 = arith.constant 2 : i32
        %add3A_115 = arith.addi %mul3A_97, %add3A_114 : i32
        %dma_start3A_116 = arith.constant 0 : i32
        %dma_start3A_117 = tpu.memref_slice %arg6[%add3A_115, %dma_start3A_116] : memref<16x128xi32, #tpu.memory_space<vmem>> -> memref<1x128xi32, #tpu.memory_space<vmem>>
        %dma_start3A_118 = tpu.memref_squeeze %dma_start3A_117 : memref<1x128xi32, #tpu.memory_space<vmem>> -> memref<128xi32, #tpu.memory_space<vmem>>
        %dma_start3A_119 = arith.constant 0 : i32
        %dma_start3A_120 = arith.constant 0 : i32
        %dma_start3A_121 = tpu.memref_slice %arg2[%dma_start3A_119, %dma_start3A_120] : memref<10000x128xf32, #tpu.memory_space<hbm>> -> memref<10000x128xf32, #tpu.memory_space<hbm>>
        tpu.enqueue_indirect_dma source(%dma_start3A_121 : memref<10000x128xf32, #tpu.memory_space<hbm>>) target(%arg8 : memref<128x128xf32, #tpu.memory_space<vmem>>) offsets(%dma_start3A_118 : memref<128xi32, #tpu.memory_space<vmem>>) semaphore(%arg11 : memref<!tpu.dma_semaphore, #tpu.memory_space<semaphore_mem>>)
        %dma_wait3A_122 = arith.constant 0 : i32
        %dma_wait3A_123 = tpu.memref_slice %arg6[%add3A_101, %dma_wait3A_122] : memref<16x128xi32, #tpu.memory_space<vmem>> -> memref<1x128xi32, #tpu.memory_space<vmem>>
        %dma_wait3A_124 = tpu.memref_squeeze %dma_wait3A_123 : memref<1x128xi32, #tpu.memory_space<vmem>> -> memref<128xi32, #tpu.memory_space<vmem>>
        %dma_wait3A_125 = arith.constant 0 : i32
        %dma_wait3A_126 = arith.constant 0 : i32
        %dma_wait3A_127 = tpu.memref_slice %arg2[%dma_wait3A_125, %dma_wait3A_126] : memref<10000x128xf32, #tpu.memory_space<hbm>> -> memref<10000x128xf32, #tpu.memory_space<hbm>>
        tpu.wait_indirect_dma semaphore(%arg12 : memref<!tpu.dma_semaphore, #tpu.memory_space<semaphore_mem>>) src(%dma_wait3A_127 : memref<10000x128xf32, #tpu.memory_space<hbm>>) dst(%arg9 : memref<128x128xf32, #tpu.memory_space<vmem>>)
        "tpu.region"() ({
          %run_scoped3A_129 = tpu.sem_alloc : memref<!tpu.dma_semaphore, #tpu.memory_space<semaphore_mem>>
          %dma_start3A_130 = arith.constant 0 : i32
          %dma_start3A_131 = tpu.memref_slice %arg7[%add3A_101, %dma_start3A_130] : memref<16x128xi32, #tpu.memory_space<vmem>> -> memref<1x128xi32, #tpu.memory_space<vmem>>
          %dma_start3A_132 = tpu.memref_squeeze %dma_start3A_131 : memref<1x128xi32, #tpu.memory_space<vmem>> -> memref<128xi32, #tpu.memory_space<vmem>>
          %dma_start3A_133 = arith.constant 0 : i32
          %dma_start3A_134 = arith.constant 0 : i32
          %dma_start3A_135 = tpu.memref_slice %arg10[%dma_start3A_133, %dma_start3A_134] : memref<10240x128xf32, #tpu.memory_space<vmem_shared>> -> memref<10240x128xf32, #tpu.memory_space<vmem_shared>>
          tpu.enqueue_indirect_dma source(%arg9 : memref<128x128xf32, #tpu.memory_space<vmem>>) target(%dma_start3A_135 : memref<10240x128xf32, #tpu.memory_space<vmem_shared>>) offsets(%dma_start3A_132 : memref<128xi32, #tpu.memory_space<vmem>>) semaphore(%run_scoped3A_129 : memref<!tpu.dma_semaphore, #tpu.memory_space<semaphore_mem>>) {add = true}
          %dma_wait3A_136 = arith.constant 0 : i32
          %dma_wait3A_137 = tpu.memref_slice %arg7[%add3A_101, %dma_wait3A_136] : memref<16x128xi32, #tpu.memory_space<vmem>> -> memref<1x128xi32, #tpu.memory_space<vmem>>
          %dma_wait3A_138 = tpu.memref_squeeze %dma_wait3A_137 : memref<1x128xi32, #tpu.memory_space<vmem>> -> memref<128xi32, #tpu.memory_space<vmem>>
          %dma_wait3A_139 = arith.constant 0 : i32
          %dma_wait3A_140 = arith.constant 0 : i32
          %dma_wait3A_141 = tpu.memref_slice %arg10[%dma_wait3A_139, %dma_wait3A_140] : memref<10240x128xf32, #tpu.memory_space<vmem_shared>> -> memref<10240x128xf32, #tpu.memory_space<vmem_shared>>
          tpu.wait_indirect_dma semaphore(%run_scoped3A_129 : memref<!tpu.dma_semaphore, #tpu.memory_space<semaphore_mem>>) src(%arg9 : memref<128x128xf32, #tpu.memory_space<vmem>>) dst(%dma_wait3A_141 : memref<10240x128xf32, #tpu.memory_space<vmem_shared>>)
          tpu.yield
        }) : () -> ()
        %scan3A_128 = arith.constant 0 : i32
        scf.yield %scan3A_128 : i32
      }
      %scan3A_71 = arith.constant 7 : i32
      %dma_start3A_72 = arith.constant 15 : i32
      %dma_start3A_73 = arith.constant 0 : i32
      %dma_start3A_74 = tpu.memref_slice %arg6[%dma_start3A_72, %dma_start3A_73] : memref<16x128xi32, #tpu.memory_space<vmem>> -> memref<1x128xi32, #tpu.memory_space<vmem>>
      %dma_start3A_75 = tpu.memref_squeeze %dma_start3A_74 : memref<1x128xi32, #tpu.memory_space<vmem>> -> memref<128xi32, #tpu.memory_space<vmem>>
      %dma_start3A_76 = arith.constant 0 : i32
      %dma_start3A_77 = arith.constant 0 : i32
      %dma_start3A_78 = tpu.memref_slice %arg2[%dma_start3A_76, %dma_start3A_77] : memref<10000x128xf32, #tpu.memory_space<hbm>> -> memref<10000x128xf32, #tpu.memory_space<hbm>>
      tpu.enqueue_indirect_dma source(%dma_start3A_78 : memref<10000x128xf32, #tpu.memory_space<hbm>>) target(%arg9 : memref<128x128xf32, #tpu.memory_space<vmem>>) offsets(%dma_start3A_75 : memref<128xi32, #tpu.memory_space<vmem>>) semaphore(%arg12 : memref<!tpu.dma_semaphore, #tpu.memory_space<semaphore_mem>>)
      %dma_wait3A = arith.constant 14 : i32
      %dma_wait3A_79 = arith.constant 0 : i32
      %dma_wait3A_80 = tpu.memref_slice %arg6[%dma_wait3A, %dma_wait3A_79] : memref<16x128xi32, #tpu.memory_space<vmem>> -> memref<1x128xi32, #tpu.memory_space<vmem>>
      %dma_wait3A_81 = tpu.memref_squeeze %dma_wait3A_80 : memref<1x128xi32, #tpu.memory_space<vmem>> -> memref<128xi32, #tpu.memory_space<vmem>>
      %dma_wait3A_82 = arith.constant 0 : i32
      %dma_wait3A_83 = arith.constant 0 : i32
      %dma_wait3A_84 = tpu.memref_slice %arg2[%dma_wait3A_82, %dma_wait3A_83] : memref<10000x128xf32, #tpu.memory_space<hbm>> -> memref<10000x128xf32, #tpu.memory_space<hbm>>
      tpu.wait_indirect_dma semaphore(%arg11 : memref<!tpu.dma_semaphore, #tpu.memory_space<semaphore_mem>>) src(%dma_wait3A_84 : memref<10000x128xf32, #tpu.memory_space<hbm>>) dst(%arg8 : memref<128x128xf32, #tpu.memory_space<vmem>>)
      %run_scoped3A = arith.constant 14 : i32
      "tpu.region"() ({
        %run_scoped3A_94 = tpu.sem_alloc : memref<!tpu.dma_semaphore, #tpu.memory_space<semaphore_mem>>
        %dma_start3A_95 = arith.constant 0 : i32
        %dma_start3A_96 = tpu.memref_slice %arg7[%run_scoped3A, %dma_start3A_95] : memref<16x128xi32, #tpu.memory_space<vmem>> -> memref<1x128xi32, #tpu.memory_space<vmem>>
        %dma_start3A_97 = tpu.memref_squeeze %dma_start3A_96 : memref<1x128xi32, #tpu.memory_space<vmem>> -> memref<128xi32, #tpu.memory_space<vmem>>
        %dma_start3A_98 = arith.constant 0 : i32
        %dma_start3A_99 = arith.constant 0 : i32
        %dma_start3A_100 = tpu.memref_slice %arg10[%dma_start3A_98, %dma_start3A_99] : memref<10240x128xf32, #tpu.memory_space<vmem_shared>> -> memref<10240x128xf32, #tpu.memory_space<vmem_shared>>
        tpu.enqueue_indirect_dma source(%arg8 : memref<128x128xf32, #tpu.memory_space<vmem>>) target(%dma_start3A_100 : memref<10240x128xf32, #tpu.memory_space<vmem_shared>>) offsets(%dma_start3A_97 : memref<128xi32, #tpu.memory_space<vmem>>) semaphore(%run_scoped3A_94 : memref<!tpu.dma_semaphore, #tpu.memory_space<semaphore_mem>>) {add = true}
        %dma_wait3A_101 = arith.constant 0 : i32
        %dma_wait3A_102 = tpu.memref_slice %arg7[%run_scoped3A, %dma_wait3A_101] : memref<16x128xi32, #tpu.memory_space<vmem>> -> memref<1x128xi32, #tpu.memory_space<vmem>>
        %dma_wait3A_103 = tpu.memref_squeeze %dma_wait3A_102 : memref<1x128xi32, #tpu.memory_space<vmem>> -> memref<128xi32, #tpu.memory_space<vmem>>
        %dma_wait3A_104 = arith.constant 0 : i32
        %dma_wait3A_105 = arith.constant 0 : i32
        %dma_wait3A_106 = tpu.memref_slice %arg10[%dma_wait3A_104, %dma_wait3A_105] : memref<10240x128xf32, #tpu.memory_space<vmem_shared>> -> memref<10240x128xf32, #tpu.memory_space<vmem_shared>>
        tpu.wait_indirect_dma semaphore(%run_scoped3A_94 : memref<!tpu.dma_semaphore, #tpu.memory_space<semaphore_mem>>) src(%arg8 : memref<128x128xf32, #tpu.memory_space<vmem>>) dst(%dma_wait3A_106 : memref<10240x128xf32, #tpu.memory_space<vmem_shared>>)
        tpu.yield
      }) : () -> ()
      %dma_wait3A_85 = arith.constant 15 : i32
      %dma_wait3A_86 = arith.constant 0 : i32
      %dma_wait3A_87 = tpu.memref_slice %arg6[%dma_wait3A_85, %dma_wait3A_86] : memref<16x128xi32, #tpu.memory_space<vmem>> -> memref<1x128xi32, #tpu.memory_space<vmem>>
      %dma_wait3A_88 = tpu.memref_squeeze %dma_wait3A_87 : memref<1x128xi32, #tpu.memory_space<vmem>> -> memref<128xi32, #tpu.memory_space<vmem>>
      %dma_wait3A_89 = arith.constant 0 : i32
      %dma_wait3A_90 = arith.constant 0 : i32
      %dma_wait3A_91 = tpu.memref_slice %arg2[%dma_wait3A_89, %dma_wait3A_90] : memref<10000x128xf32, #tpu.memory_space<hbm>> -> memref<10000x128xf32, #tpu.memory_space<hbm>>
      tpu.wait_indirect_dma semaphore(%arg12 : memref<!tpu.dma_semaphore, #tpu.memory_space<semaphore_mem>>) src(%dma_wait3A_91 : memref<10000x128xf32, #tpu.memory_space<hbm>>) dst(%arg9 : memref<128x128xf32, #tpu.memory_space<vmem>>)
      %run_scoped3A_92 = arith.constant 15 : i32
      "tpu.region"() ({
        %run_scoped3A_94 = tpu.sem_alloc : memref<!tpu.dma_semaphore, #tpu.memory_space<semaphore_mem>>
        %dma_start3A_95 = arith.constant 0 : i32
        %dma_start3A_96 = tpu.memref_slice %arg7[%run_scoped3A_92, %dma_start3A_95] : memref<16x128xi32, #tpu.memory_space<vmem>> -> memref<1x128xi32, #tpu.memory_space<vmem>>
        %dma_start3A_97 = tpu.memref_squeeze %dma_start3A_96 : memref<1x128xi32, #tpu.memory_space<vmem>> -> memref<128xi32, #tpu.memory_space<vmem>>
        %dma_start3A_98 = arith.constant 0 : i32
        %dma_start3A_99 = arith.constant 0 : i32
        %dma_start3A_100 = tpu.memref_slice %arg10[%dma_start3A_98, %dma_start3A_99] : memref<10240x128xf32, #tpu.memory_space<vmem_shared>> -> memref<10240x128xf32, #tpu.memory_space<vmem_shared>>
        tpu.enqueue_indirect_dma source(%arg9 : memref<128x128xf32, #tpu.memory_space<vmem>>) target(%dma_start3A_100 : memref<10240x128xf32, #tpu.memory_space<vmem_shared>>) offsets(%dma_start3A_97 : memref<128xi32, #tpu.memory_space<vmem>>) semaphore(%run_scoped3A_94 : memref<!tpu.dma_semaphore, #tpu.memory_space<semaphore_mem>>) {add = true}
        %dma_wait3A_101 = arith.constant 0 : i32
        %dma_wait3A_102 = tpu.memref_slice %arg7[%run_scoped3A_92, %dma_wait3A_101] : memref<16x128xi32, #tpu.memory_space<vmem>> -> memref<1x128xi32, #tpu.memory_space<vmem>>
        %dma_wait3A_103 = tpu.memref_squeeze %dma_wait3A_102 : memref<1x128xi32, #tpu.memory_space<vmem>> -> memref<128xi32, #tpu.memory_space<vmem>>
        %dma_wait3A_104 = arith.constant 0 : i32
        %dma_wait3A_105 = arith.constant 0 : i32
        %dma_wait3A_106 = tpu.memref_slice %arg10[%dma_wait3A_104, %dma_wait3A_105] : memref<10240x128xf32, #tpu.memory_space<vmem_shared>> -> memref<10240x128xf32, #tpu.memory_space<vmem_shared>>
        tpu.wait_indirect_dma semaphore(%run_scoped3A_94 : memref<!tpu.dma_semaphore, #tpu.memory_space<semaphore_mem>>) src(%arg9 : memref<128x128xf32, #tpu.memory_space<vmem>>) dst(%dma_wait3A_106 : memref<10240x128xf32, #tpu.memory_space<vmem_shared>>)
        tpu.yield
      }) : () -> ()
      %while3A_93 = arith.constant 0 : i32
      scf.yield %while3A_93 : i32
    }
    %while3A_47 = arith.constant 1 : i32
    %while3A_48 = scf.for %while3A_54 = %while3A_44 to %while3A_40 step %while3A_47 iter_args(%while3A_55 = %while3A_46) -> (i32)  : i32 {
      %mul3A_56 = arith.constant 16 : i32
      %mul3A_57 = arith.muli %while3A_54, %mul3A_56 : i32
      %add3A_58 = arith.addi %select_n3A, %mul3A_57 : i32
      "tpu.region"() ({
        %run_scoped3A_94 = tpu.sem_alloc : memref<!tpu.dma_semaphore, #tpu.memory_space<semaphore_mem>>
        %dma_start3A_95 = arith.constant 0 : i32
        %dma_start3A_96 = tpu.memref_slice %arg3[%add3A_58, %dma_start3A_95] : memref<2560x128xi32, #tpu.memory_space<hbm>> -> memref<16x128xi32, #tpu.memory_space<hbm>>
        %dma_start3A_97 = arith.constant 0 : i32
        %dma_start3A_98 = tpu.memref_slice %arg3[%add3A_58, %dma_start3A_97] : memref<2560x128xi32, #tpu.memory_space<hbm>> -> memref<16x128xi32, #tpu.memory_space<hbm>>
        tpu.enqueue_dma source(%dma_start3A_98 : memref<16x128xi32, #tpu.memory_space<hbm>>) target(%arg6 : memref<16x128xi32, #tpu.memory_space<vmem>>) target_semaphore(%run_scoped3A_94 : memref<!tpu.dma_semaphore, #tpu.memory_space<semaphore_mem>>)
        %dma_wait3A_99 = arith.constant 0 : i32
        %dma_wait3A_100 = tpu.memref_slice %arg3[%add3A_58, %dma_wait3A_99] : memref<2560x128xi32, #tpu.memory_space<hbm>> -> memref<16x128xi32, #tpu.memory_space<hbm>>
        %dma_wait3A_101 = arith.constant 0 : i32
        %dma_wait3A_102 = tpu.memref_slice %arg3[%add3A_58, %dma_wait3A_101] : memref<2560x128xi32, #tpu.memory_space<hbm>> -> memref<16x128xi32, #tpu.memory_space<hbm>>
        tpu.wait_dma2 semaphore(%run_scoped3A_94 : memref<!tpu.dma_semaphore, #tpu.memory_space<semaphore_mem>>) src(%dma_wait3A_102 : memref<16x128xi32, #tpu.memory_space<hbm>>) dst(%arg6 : memref<16x128xi32, #tpu.memory_space<vmem>>)
        tpu.yield
      }) : () -> ()
      "tpu.region"() ({
        %run_scoped3A_94 = tpu.sem_alloc : memref<!tpu.dma_semaphore, #tpu.memory_space<semaphore_mem>>
        %dma_start3A_95 = arith.constant 0 : i32
        %dma_start3A_96 = tpu.memref_slice %arg4[%add3A_58, %dma_start3A_95] : memref<2560x128xi32, #tpu.memory_space<hbm>> -> memref<16x128xi32, #tpu.memory_space<hbm>>
        %dma_start3A_97 = arith.constant 0 : i32
        %dma_start3A_98 = tpu.memref_slice %arg4[%add3A_58, %dma_start3A_97] : memref<2560x128xi32, #tpu.memory_space<hbm>> -> memref<16x128xi32, #tpu.memory_space<hbm>>
        tpu.enqueue_dma source(%dma_start3A_98 : memref<16x128xi32, #tpu.memory_space<hbm>>) target(%arg7 : memref<16x128xi32, #tpu.memory_space<vmem>>) target_semaphore(%run_scoped3A_94 : memref<!tpu.dma_semaphore, #tpu.memory_space<semaphore_mem>>)
        %dma_wait3A_99 = arith.constant 0 : i32
        %dma_wait3A_100 = tpu.memref_slice %arg4[%add3A_58, %dma_wait3A_99] : memref<2560x128xi32, #tpu.memory_space<hbm>> -> memref<16x128xi32, #tpu.memory_space<hbm>>
        %dma_wait3A_101 = arith.constant 0 : i32
        %dma_wait3A_102 = tpu.memref_slice %arg4[%add3A_58, %dma_wait3A_101] : memref<2560x128xi32, #tpu.memory_space<hbm>> -> memref<16x128xi32, #tpu.memory_space<hbm>>
        tpu.wait_dma2 semaphore(%run_scoped3A_94 : memref<!tpu.dma_semaphore, #tpu.memory_space<semaphore_mem>>) src(%dma_wait3A_102 : memref<16x128xi32, #tpu.memory_space<hbm>>) dst(%arg7 : memref<16x128xi32, #tpu.memory_space<vmem>>)
        tpu.yield
      }) : () -> ()
      %dma_start3A = arith.constant 0 : i32
      %dma_start3A_59 = arith.constant 0 : i32
      %dma_start3A_60 = tpu.memref_slice %arg6[%dma_start3A, %dma_start3A_59] : memref<16x128xi32, #tpu.memory_space<vmem>> -> memref<1x128xi32, #tpu.memory_space<vmem>>
      %dma_start3A_61 = tpu.memref_squeeze %dma_start3A_60 : memref<1x128xi32, #tpu.memory_space<vmem>> -> memref<128xi32, #tpu.memory_space<vmem>>
      %dma_start3A_62 = arith.constant 0 : i32
      %dma_start3A_63 = arith.constant 0 : i32
      %dma_start3A_64 = tpu.memref_slice %arg2[%dma_start3A_62, %dma_start3A_63] : memref<10000x128xf32, #tpu.memory_space<hbm>> -> memref<10000x128xf32, #tpu.memory_space<hbm>>
      tpu.enqueue_indirect_dma source(%dma_start3A_64 : memref<10000x128xf32, #tpu.memory_space<hbm>>) target(%arg8 : memref<128x128xf32, #tpu.memory_space<vmem>>) offsets(%dma_start3A_61 : memref<128xi32, #tpu.memory_space<vmem>>) semaphore(%arg11 : memref<!tpu.dma_semaphore, #tpu.memory_space<semaphore_mem>>)
      %scan3A_65 = arith.constant 0 : i32
      %scan3A_66 = arith.constant 0 : i32
      %scan3A_67 = arith.constant 7 : i32
      %scan3A_68 = arith.addi %scan3A_66, %scan3A_67 : i32
      %scan3A_69 = arith.constant 1 : i32
      %scan3A_70 = scf.for %scan3A_94 = %scan3A_66 to %scan3A_68 step %scan3A_69 iter_args(%scan3A_95 = %scan3A_65) -> (i32)  : i32 {
        %mul3A_96 = arith.constant 2 : i32
        %mul3A_97 = arith.muli %mul3A_96, %scan3A_94 : i32
        %mul3A_98 = arith.constant 2 : i32
        %mul3A_99 = arith.muli %mul3A_98, %scan3A_94 : i32
        %add3A_100 = arith.constant 1 : i32
        %add3A_101 = arith.addi %mul3A_99, %add3A_100 : i32
        %dma_start3A_102 = arith.constant 0 : i32
        %dma_start3A_103 = tpu.memref_slice %arg6[%add3A_101, %dma_start3A_102] : memref<16x128xi32, #tpu.memory_space<vmem>> -> memref<1x128xi32, #tpu.memory_space<vmem>>
        %dma_start3A_104 = tpu.memref_squeeze %dma_start3A_103 : memref<1x128xi32, #tpu.memory_space<vmem>> -> memref<128xi32, #tpu.memory_space<vmem>>
        %dma_start3A_105 = arith.constant 0 : i32
        %dma_start3A_106 = arith.constant 0 : i32
        %dma_start3A_107 = tpu.memref_slice %arg2[%dma_start3A_105, %dma_start3A_106] : memref<10000x128xf32, #tpu.memory_space<hbm>> -> memref<10000x128xf32, #tpu.memory_space<hbm>>
        tpu.enqueue_indirect_dma source(%dma_start3A_107 : memref<10000x128xf32, #tpu.memory_space<hbm>>) target(%arg9 : memref<128x128xf32, #tpu.memory_space<vmem>>) offsets(%dma_start3A_104 : memref<128xi32, #tpu.memory_space<vmem>>) semaphore(%arg12 : memref<!tpu.dma_semaphore, #tpu.memory_space<semaphore_mem>>)
        %dma_wait3A_108 = arith.constant 0 : i32
        %dma_wait3A_109 = tpu.memref_slice %arg6[%mul3A_97, %dma_wait3A_108] : memref<16x128xi32, #tpu.memory_space<vmem>> -> memref<1x128xi32, #tpu.memory_space<vmem>>
        %dma_wait3A_110 = tpu.memref_squeeze %dma_wait3A_109 : memref<1x128xi32, #tpu.memory_space<vmem>> -> memref<128xi32, #tpu.memory_space<vmem>>
        %dma_wait3A_111 = arith.constant 0 : i32
        %dma_wait3A_112 = arith.constant 0 : i32
        %dma_wait3A_113 = tpu.memref_slice %arg2[%dma_wait3A_111, %dma_wait3A_112] : memref<10000x128xf32, #tpu.memory_space<hbm>> -> memref<10000x128xf32, #tpu.memory_space<hbm>>
        tpu.wait_indirect_dma semaphore(%arg11 : memref<!tpu.dma_semaphore, #tpu.memory_space<semaphore_mem>>) src(%dma_wait3A_113 : memref<10000x128xf32, #tpu.memory_space<hbm>>) dst(%arg8 : memref<128x128xf32, #tpu.memory_space<vmem>>)
        "tpu.region"() ({
          %run_scoped3A_129 = tpu.sem_alloc : memref<!tpu.dma_semaphore, #tpu.memory_space<semaphore_mem>>
          %dma_start3A_130 = arith.constant 0 : i32
          %dma_start3A_131 = tpu.memref_slice %arg7[%mul3A_97, %dma_start3A_130] : memref<16x128xi32, #tpu.memory_space<vmem>> -> memref<1x128xi32, #tpu.memory_space<vmem>>
          %dma_start3A_132 = tpu.memref_squeeze %dma_start3A_131 : memref<1x128xi32, #tpu.memory_space<vmem>> -> memref<128xi32, #tpu.memory_space<vmem>>
          %dma_start3A_133 = arith.constant 0 : i32
          %dma_start3A_134 = arith.constant 0 : i32
          %dma_start3A_135 = tpu.memref_slice %arg10[%dma_start3A_133, %dma_start3A_134] : memref<10240x128xf32, #tpu.memory_space<vmem_shared>> -> memref<10240x128xf32, #tpu.memory_space<vmem_shared>>
          tpu.enqueue_indirect_dma source(%arg8 : memref<128x128xf32, #tpu.memory_space<vmem>>) target(%dma_start3A_135 : memref<10240x128xf32, #tpu.memory_space<vmem_shared>>) offsets(%dma_start3A_132 : memref<128xi32, #tpu.memory_space<vmem>>) semaphore(%run_scoped3A_129 : memref<!tpu.dma_semaphore, #tpu.memory_space<semaphore_mem>>) {add = true}
          %dma_wait3A_136 = arith.constant 0 : i32
          %dma_wait3A_137 = tpu.memref_slice %arg7[%mul3A_97, %dma_wait3A_136] : memref<16x128xi32, #tpu.memory_space<vmem>> -> memref<1x128xi32, #tpu.memory_space<vmem>>
          %dma_wait3A_138 = tpu.memref_squeeze %dma_wait3A_137 : memref<1x128xi32, #tpu.memory_space<vmem>> -> memref<128xi32, #tpu.memory_space<vmem>>
          %dma_wait3A_139 = arith.constant 0 : i32
          %dma_wait3A_140 = arith.constant 0 : i32
          %dma_wait3A_141 = tpu.memref_slice %arg10[%dma_wait3A_139, %dma_wait3A_140] : memref<10240x128xf32, #tpu.memory_space<vmem_shared>> -> memref<10240x128xf32, #tpu.memory_space<vmem_shared>>
          tpu.wait_indirect_dma semaphore(%run_scoped3A_129 : memref<!tpu.dma_semaphore, #tpu.memory_space<semaphore_mem>>) src(%arg8 : memref<128x128xf32, #tpu.memory_space<vmem>>) dst(%dma_wait3A_141 : memref<10240x128xf32, #tpu.memory_space<vmem_shared>>)
          tpu.yield
        }) : () -> ()
        %add3A_114 = arith.constant 2 : i32
        %add3A_115 = arith.addi %mul3A_97, %add3A_114 : i32
        %dma_start3A_116 = arith.constant 0 : i32
        %dma_start3A_117 = tpu.memref_slice %arg6[%add3A_115, %dma_start3A_116] : memref<16x128xi32, #tpu.memory_space<vmem>> -> memref<1x128xi32, #tpu.memory_space<vmem>>
        %dma_start3A_118 = tpu.memref_squeeze %dma_start3A_117 : memref<1x128xi32, #tpu.memory_space<vmem>> -> memref<128xi32, #tpu.memory_space<vmem>>
        %dma_start3A_119 = arith.constant 0 : i32
        %dma_start3A_120 = arith.constant 0 : i32
        %dma_start3A_121 = tpu.memref_slice %arg2[%dma_start3A_119, %dma_start3A_120] : memref<10000x128xf32, #tpu.memory_space<hbm>> -> memref<10000x128xf32, #tpu.memory_space<hbm>>
        tpu.enqueue_indirect_dma source(%dma_start3A_121 : memref<10000x128xf32, #tpu.memory_space<hbm>>) target(%arg8 : memref<128x128xf32, #tpu.memory_space<vmem>>) offsets(%dma_start3A_118 : memref<128xi32, #tpu.memory_space<vmem>>) semaphore(%arg11 : memref<!tpu.dma_semaphore, #tpu.memory_space<semaphore_mem>>)
        %dma_wait3A_122 = arith.constant 0 : i32
        %dma_wait3A_123 = tpu.memref_slice %arg6[%add3A_101, %dma_wait3A_122] : memref<16x128xi32, #tpu.memory_space<vmem>> -> memref<1x128xi32, #tpu.memory_space<vmem>>
        %dma_wait3A_124 = tpu.memref_squeeze %dma_wait3A_123 : memref<1x128xi32, #tpu.memory_space<vmem>> -> memref<128xi32, #tpu.memory_space<vmem>>
        %dma_wait3A_125 = arith.constant 0 : i32
        %dma_wait3A_126 = arith.constant 0 : i32
        %dma_wait3A_127 = tpu.memref_slice %arg2[%dma_wait3A_125, %dma_wait3A_126] : memref<10000x128xf32, #tpu.memory_space<hbm>> -> memref<10000x128xf32, #tpu.memory_space<hbm>>
        tpu.wait_indirect_dma semaphore(%arg12 : memref<!tpu.dma_semaphore, #tpu.memory_space<semaphore_mem>>) src(%dma_wait3A_127 : memref<10000x128xf32, #tpu.memory_space<hbm>>) dst(%arg9 : memref<128x128xf32, #tpu.memory_space<vmem>>)
        "tpu.region"() ({
          %run_scoped3A_129 = tpu.sem_alloc : memref<!tpu.dma_semaphore, #tpu.memory_space<semaphore_mem>>
          %dma_start3A_130 = arith.constant 0 : i32
          %dma_start3A_131 = tpu.memref_slice %arg7[%add3A_101, %dma_start3A_130] : memref<16x128xi32, #tpu.memory_space<vmem>> -> memref<1x128xi32, #tpu.memory_space<vmem>>
          %dma_start3A_132 = tpu.memref_squeeze %dma_start3A_131 : memref<1x128xi32, #tpu.memory_space<vmem>> -> memref<128xi32, #tpu.memory_space<vmem>>
          %dma_start3A_133 = arith.constant 0 : i32
          %dma_start3A_134 = arith.constant 0 : i32
          %dma_start3A_135 = tpu.memref_slice %arg10[%dma_start3A_133, %dma_start3A_134] : memref<10240x128xf32, #tpu.memory_space<vmem_shared>> -> memref<10240x128xf32, #tpu.memory_space<vmem_shared>>
          tpu.enqueue_indirect_dma source(%arg9 : memref<128x128xf32, #tpu.memory_space<vmem>>) target(%dma_start3A_135 : memref<10240x128xf32, #tpu.memory_space<vmem_shared>>) offsets(%dma_start3A_132 : memref<128xi32, #tpu.memory_space<vmem>>) semaphore(%run_scoped3A_129 : memref<!tpu.dma_semaphore, #tpu.memory_space<semaphore_mem>>) {add = true}
          %dma_wait3A_136 = arith.constant 0 : i32
          %dma_wait3A_137 = tpu.memref_slice %arg7[%add3A_101, %dma_wait3A_136] : memref<16x128xi32, #tpu.memory_space<vmem>> -> memref<1x128xi32, #tpu.memory_space<vmem>>
          %dma_wait3A_138 = tpu.memref_squeeze %dma_wait3A_137 : memref<1x128xi32, #tpu.memory_space<vmem>> -> memref<128xi32, #tpu.memory_space<vmem>>
          %dma_wait3A_139 = arith.constant 0 : i32
          %dma_wait3A_140 = arith.constant 0 : i32
          %dma_wait3A_141 = tpu.memref_slice %arg10[%dma_wait3A_139, %dma_wait3A_140] : memref<10240x128xf32, #tpu.memory_space<vmem_shared>> -> memref<10240x128xf32, #tpu.memory_space<vmem_shared>>
          tpu.wait_indirect_dma semaphore(%run_scoped3A_129 : memref<!tpu.dma_semaphore, #tpu.memory_space<semaphore_mem>>) src(%arg9 : memref<128x128xf32, #tpu.memory_space<vmem>>) dst(%dma_wait3A_141 : memref<10240x128xf32, #tpu.memory_space<vmem_shared>>)
          tpu.yield
        }) : () -> ()
        %scan3A_128 = arith.constant 0 : i32
        scf.yield %scan3A_128 : i32
      }
      %scan3A_71 = arith.constant 7 : i32
      %dma_start3A_72 = arith.constant 15 : i32
      %dma_start3A_73 = arith.constant 0 : i32
      %dma_start3A_74 = tpu.memref_slice %arg6[%dma_start3A_72, %dma_start3A_73] : memref<16x128xi32, #tpu.memory_space<vmem>> -> memref<1x128xi32, #tpu.memory_space<vmem>>
      %dma_start3A_75 = tpu.memref_squeeze %dma_start3A_74 : memref<1x128xi32, #tpu.memory_space<vmem>> -> memref<128xi32, #tpu.memory_space<vmem>>
      %dma_start3A_76 = arith.constant 0 : i32
      %dma_start3A_77 = arith.constant 0 : i32
      %dma_start3A_78 = tpu.memref_slice %arg2[%dma_start3A_76, %dma_start3A_77] : memref<10000x128xf32, #tpu.memory_space<hbm>> -> memref<10000x128xf32, #tpu.memory_space<hbm>>
      tpu.enqueue_indirect_dma source(%dma_start3A_78 : memref<10000x128xf32, #tpu.memory_space<hbm>>) target(%arg9 : memref<128x128xf32, #tpu.memory_space<vmem>>) offsets(%dma_start3A_75 : memref<128xi32, #tpu.memory_space<vmem>>) semaphore(%arg12 : memref<!tpu.dma_semaphore, #tpu.memory_space<semaphore_mem>>)
      %dma_wait3A = arith.constant 14 : i32
      %dma_wait3A_79 = arith.constant 0 : i32
      %dma_wait3A_80 = tpu.memref_slice %arg6[%dma_wait3A, %dma_wait3A_79] : memref<16x128xi32, #tpu.memory_space<vmem>> -> memref<1x128xi32, #tpu.memory_space<vmem>>
      %dma_wait3A_81 = tpu.memref_squeeze %dma_wait3A_80 : memref<1x128xi32, #tpu.memory_space<vmem>> -> memref<128xi32, #tpu.memory_space<vmem>>
      %dma_wait3A_82 = arith.constant 0 : i32
      %dma_wait3A_83 = arith.constant 0 : i32
      %dma_wait3A_84 = tpu.memref_slice %arg2[%dma_wait3A_82, %dma_wait3A_83] : memref<10000x128xf32, #tpu.memory_space<hbm>> -> memref<10000x128xf32, #tpu.memory_space<hbm>>
      tpu.wait_indirect_dma semaphore(%arg11 : memref<!tpu.dma_semaphore, #tpu.memory_space<semaphore_mem>>) src(%dma_wait3A_84 : memref<10000x128xf32, #tpu.memory_space<hbm>>) dst(%arg8 : memref<128x128xf32, #tpu.memory_space<vmem>>)
      %run_scoped3A = arith.constant 14 : i32
      "tpu.region"() ({
        %run_scoped3A_94 = tpu.sem_alloc : memref<!tpu.dma_semaphore, #tpu.memory_space<semaphore_mem>>
        %dma_start3A_95 = arith.constant 0 : i32
        %dma_start3A_96 = tpu.memref_slice %arg7[%run_scoped3A, %dma_start3A_95] : memref<16x128xi32, #tpu.memory_space<vmem>> -> memref<1x128xi32, #tpu.memory_space<vmem>>
        %dma_start3A_97 = tpu.memref_squeeze %dma_start3A_96 : memref<1x128xi32, #tpu.memory_space<vmem>> -> memref<128xi32, #tpu.memory_space<vmem>>
        %dma_start3A_98 = arith.constant 0 : i32
        %dma_start3A_99 = arith.constant 0 : i32
        %dma_start3A_100 = tpu.memref_slice %arg10[%dma_start3A_98, %dma_start3A_99] : memref<10240x128xf32, #tpu.memory_space<vmem_shared>> -> memref<10240x128xf32, #tpu.memory_space<vmem_shared>>
        tpu.enqueue_indirect_dma source(%arg8 : memref<128x128xf32, #tpu.memory_space<vmem>>) target(%dma_start3A_100 : memref<10240x128xf32, #tpu.memory_space<vmem_shared>>) offsets(%dma_start3A_97 : memref<128xi32, #tpu.memory_space<vmem>>) semaphore(%run_scoped3A_94 : memref<!tpu.dma_semaphore, #tpu.memory_space<semaphore_mem>>) {add = true}
        %dma_wait3A_101 = arith.constant 0 : i32
        %dma_wait3A_102 = tpu.memref_slice %arg7[%run_scoped3A, %dma_wait3A_101] : memref<16x128xi32, #tpu.memory_space<vmem>> -> memref<1x128xi32, #tpu.memory_space<vmem>>
        %dma_wait3A_103 = tpu.memref_squeeze %dma_wait3A_102 : memref<1x128xi32, #tpu.memory_space<vmem>> -> memref<128xi32, #tpu.memory_space<vmem>>
        %dma_wait3A_104 = arith.constant 0 : i32
        %dma_wait3A_105 = arith.constant 0 : i32
        %dma_wait3A_106 = tpu.memref_slice %arg10[%dma_wait3A_104, %dma_wait3A_105] : memref<10240x128xf32, #tpu.memory_space<vmem_shared>> -> memref<10240x128xf32, #tpu.memory_space<vmem_shared>>
        tpu.wait_indirect_dma semaphore(%run_scoped3A_94 : memref<!tpu.dma_semaphore, #tpu.memory_space<semaphore_mem>>) src(%arg8 : memref<128x128xf32, #tpu.memory_space<vmem>>) dst(%dma_wait3A_106 : memref<10240x128xf32, #tpu.memory_space<vmem_shared>>)
        tpu.yield
      }) : () -> ()
      %dma_wait3A_85 = arith.constant 15 : i32
      %dma_wait3A_86 = arith.constant 0 : i32
      %dma_wait3A_87 = tpu.memref_slice %arg6[%dma_wait3A_85, %dma_wait3A_86] : memref<16x128xi32, #tpu.memory_space<vmem>> -> memref<1x128xi32, #tpu.memory_space<vmem>>
      %dma_wait3A_88 = tpu.memref_squeeze %dma_wait3A_87 : memref<1x128xi32, #tpu.memory_space<vmem>> -> memref<128xi32, #tpu.memory_space<vmem>>
      %dma_wait3A_89 = arith.constant 0 : i32
      %dma_wait3A_90 = arith.constant 0 : i32
      %dma_wait3A_91 = tpu.memref_slice %arg2[%dma_wait3A_89, %dma_wait3A_90] : memref<10000x128xf32, #tpu.memory_space<hbm>> -> memref<10000x128xf32, #tpu.memory_space<hbm>>
      tpu.wait_indirect_dma semaphore(%arg12 : memref<!tpu.dma_semaphore, #tpu.memory_space<semaphore_mem>>) src(%dma_wait3A_91 : memref<10000x128xf32, #tpu.memory_space<hbm>>) dst(%arg9 : memref<128x128xf32, #tpu.memory_space<vmem>>)
      %run_scoped3A_92 = arith.constant 15 : i32
      "tpu.region"() ({
        %run_scoped3A_94 = tpu.sem_alloc : memref<!tpu.dma_semaphore, #tpu.memory_space<semaphore_mem>>
        %dma_start3A_95 = arith.constant 0 : i32
        %dma_start3A_96 = tpu.memref_slice %arg7[%run_scoped3A_92, %dma_start3A_95] : memref<16x128xi32, #tpu.memory_space<vmem>> -> memref<1x128xi32, #tpu.memory_space<vmem>>
        %dma_start3A_97 = tpu.memref_squeeze %dma_start3A_96 : memref<1x128xi32, #tpu.memory_space<vmem>> -> memref<128xi32, #tpu.memory_space<vmem>>
        %dma_start3A_98 = arith.constant 0 : i32
        %dma_start3A_99 = arith.constant 0 : i32
        %dma_start3A_100 = tpu.memref_slice %arg10[%dma_start3A_98, %dma_start3A_99] : memref<10240x128xf32, #tpu.memory_space<vmem_shared>> -> memref<10240x128xf32, #tpu.memory_space<vmem_shared>>
        tpu.enqueue_indirect_dma source(%arg9 : memref<128x128xf32, #tpu.memory_space<vmem>>) target(%dma_start3A_100 : memref<10240x128xf32, #tpu.memory_space<vmem_shared>>) offsets(%dma_start3A_97 : memref<128xi32, #tpu.memory_space<vmem>>) semaphore(%run_scoped3A_94 : memref<!tpu.dma_semaphore, #tpu.memory_space<semaphore_mem>>) {add = true}
        %dma_wait3A_101 = arith.constant 0 : i32
        %dma_wait3A_102 = tpu.memref_slice %arg7[%run_scoped3A_92, %dma_wait3A_101] : memref<16x128xi32, #tpu.memory_space<vmem>> -> memref<1x128xi32, #tpu.memory_space<vmem>>
        %dma_wait3A_103 = tpu.memref_squeeze %dma_wait3A_102 : memref<1x128xi32, #tpu.memory_space<vmem>> -> memref<128xi32, #tpu.memory_space<vmem>>
        %dma_wait3A_104 = arith.constant 0 : i32
        %dma_wait3A_105 = arith.constant 0 : i32
        %dma_wait3A_106 = tpu.memref_slice %arg10[%dma_wait3A_104, %dma_wait3A_105] : memref<10240x128xf32, #tpu.memory_space<vmem_shared>> -> memref<10240x128xf32, #tpu.memory_space<vmem_shared>>
        tpu.wait_indirect_dma semaphore(%run_scoped3A_94 : memref<!tpu.dma_semaphore, #tpu.memory_space<semaphore_mem>>) src(%arg9 : memref<128x128xf32, #tpu.memory_space<vmem>>) dst(%dma_wait3A_106 : memref<10240x128xf32, #tpu.memory_space<vmem_shared>>)
        tpu.yield
      }) : () -> ()
      %while3A_93 = arith.constant 0 : i32
      scf.yield %while3A_93 : i32
    }
    %barrier3A_49 = arith.constant 0 : index
    tpu.barrier barrier_id(%barrier3A_49)
    %mul3A_50 = arith.constant 640 : i32
    %mul3A_51 = arith.muli %arg1, %mul3A_50 : i32
    %mul3A_52 = arith.constant 640 : i32
    %mul3A_53 = arith.muli %arg1, %mul3A_52 : i32
    "tpu.region"() ({
      %run_scoped3A = tpu.sem_alloc : memref<!tpu.dma_semaphore, #tpu.memory_space<semaphore_mem>>
      %dma_start3A = arith.constant 0 : i32
      %dma_start3A_54 = tpu.memref_slice %arg5[%arg0, %mul3A_53, %dma_start3A] : memref<2x10240x128xf32, #tpu.memory_space<hbm>> -> memref<1x640x128xf32, #tpu.memory_space<hbm>>
      %dma_start3A_55 = tpu.memref_squeeze %dma_start3A_54 : memref<1x640x128xf32, #tpu.memory_space<hbm>> -> memref<640x128xf32, #tpu.memory_space<hbm>>
      %dma_start3A_56 = arith.constant 0 : i32
      %dma_start3A_57 = tpu.memref_slice %arg10[%mul3A_51, %dma_start3A_56] : memref<10240x128xf32, #tpu.memory_space<vmem_shared>> -> memref<640x128xf32, #tpu.memory_space<vmem_shared>>
      tpu.enqueue_dma source(%dma_start3A_57 : memref<640x128xf32, #tpu.memory_space<vmem_shared>>) target(%dma_start3A_55 : memref<640x128xf32, #tpu.memory_space<hbm>>) target_semaphore(%run_scoped3A : memref<!tpu.dma_semaphore, #tpu.memory_space<semaphore_mem>>)
      %dma_wait3A = arith.constant 0 : i32
      %dma_wait3A_58 = tpu.memref_slice %arg5[%arg0, %mul3A_53, %dma_wait3A] : memref<2x10240x128xf32, #tpu.memory_space<hbm>> -> memref<1x640x128xf32, #tpu.memory_space<hbm>>
      %dma_wait3A_59 = tpu.memref_squeeze %dma_wait3A_58 : memref<1x640x128xf32, #tpu.memory_space<hbm>> -> memref<640x128xf32, #tpu.memory_space<hbm>>
      %dma_wait3A_60 = arith.constant 0 : i32
      %dma_wait3A_61 = tpu.memref_slice %arg10[%mul3A_51, %dma_wait3A_60] : memref<10240x128xf32, #tpu.memory_space<vmem_shared>> -> memref<640x128xf32, #tpu.memory_space<vmem_shared>>
      tpu.wait_dma2 semaphore(%run_scoped3A : memref<!tpu.dma_semaphore, #tpu.memory_space<semaphore_mem>>) src(%dma_wait3A_61 : memref<640x128xf32, #tpu.memory_space<vmem_shared>>) dst(%dma_wait3A_59 : memref<640x128xf32, #tpu.memory_space<hbm>>)
      tpu.yield
    }) : () -> ()
    return
  }
}

#map = affine_map<(d0, d1) -> (0, 0)>
module attributes {stable_mosaic.version = 14 : i64} {
  func.func @_hist_body(%arg0: i32, %arg1: i32, %arg2: memref<2560x128xi32, #tpu.memory_space<hbm>>, %arg3: memref<32x10240xf32, #tpu.memory_space<hbm>>, %arg4: memref<80x128xi32, #tpu.memory_space<vmem>>, %arg5: memref<10240xf32, #tpu.memory_space<vmem>>) attributes {dimension_semantics = [#tpu.dimension_semantics<core_parallel>, #tpu.dimension_semantics<subcore_parallel>], iteration_bounds = array<i64: 2, 16>, scalar_prefetch = 0 : i64, scratch_operands = 2 : i64, tpu.core_type = #tpu.core_type<sc_vector_subcore>, window_params = [{transform_indices = #map}, {transform_indices = #map}]} {
    %mul3A = arith.constant 16 : i32
    %mul3A_0 = arith.muli %arg0, %mul3A : i32
    %add3A = arith.addi %mul3A_0, %arg1 : i32
    %scan3A = arith.constant 0 : i32
    %scan3A_1 = arith.constant 0 : i32
    %scan3A_2 = arith.constant 640 : i32
    %scan3A_3 = arith.addi %scan3A_1, %scan3A_2 : i32
    %scan3A_4 = arith.constant 1 : i32
    %scan3A_5 = scf.for %scan3A_17 = %scan3A_1 to %scan3A_3 step %scan3A_4 iter_args(%scan3A_18 = %scan3A) -> (i32)  : i32 {
      %broadcast_in_dim3A_19 = arith.constant 0.000000e+00 : f32
      %broadcast_in_dim3A_20 = vector.broadcast %broadcast_in_dim3A_19 : f32 to vector<16xf32>
      %mul3A_21 = arith.constant 16 : i32
      %mul3A_22 = arith.muli %scan3A_17, %mul3A_21 : i32
      %swap3A = arith.index_cast %mul3A_22 : i32 to index
      %swap3A_23 = tpu.vector_load %arg5[%swap3A] {strides = array<i32>} : memref<10240xf32, #tpu.memory_space<vmem>>, vector<16xf32>,
      tpu.vector_store %arg5[%swap3A], %broadcast_in_dim3A_20 {strides = array<i32>} : memref<10240xf32, #tpu.memory_space<vmem>>, vector<16xf32>,
      %scan3A_24 = arith.constant 0 : i32
      scf.yield %scan3A_24 : i32
    }
    %scan3A_6 = arith.constant 640 : i32
    %mul3A_7 = arith.constant 80 : i32
    %mul3A_8 = arith.muli %add3A, %mul3A_7 : i32
    "tpu.region"() ({
      %run_scoped3A = tpu.sem_alloc : memref<!tpu.dma_semaphore, #tpu.memory_space<semaphore_mem>>
      %dma_start3A = arith.constant 0 : i32
      %dma_start3A_17 = tpu.memref_slice %arg2[%mul3A_8, %dma_start3A] : memref<2560x128xi32, #tpu.memory_space<hbm>> -> memref<80x128xi32, #tpu.memory_space<hbm>>
      %dma_start3A_18 = arith.constant 0 : i32
      %dma_start3A_19 = tpu.memref_slice %arg2[%mul3A_8, %dma_start3A_18] : memref<2560x128xi32, #tpu.memory_space<hbm>> -> memref<80x128xi32, #tpu.memory_space<hbm>>
      tpu.enqueue_dma source(%dma_start3A_19 : memref<80x128xi32, #tpu.memory_space<hbm>>) target(%arg4 : memref<80x128xi32, #tpu.memory_space<vmem>>) target_semaphore(%run_scoped3A : memref<!tpu.dma_semaphore, #tpu.memory_space<semaphore_mem>>)
      %dma_wait3A = arith.constant 0 : i32
      %dma_wait3A_20 = tpu.memref_slice %arg2[%mul3A_8, %dma_wait3A] : memref<2560x128xi32, #tpu.memory_space<hbm>> -> memref<80x128xi32, #tpu.memory_space<hbm>>
      %dma_wait3A_21 = arith.constant 0 : i32
      %dma_wait3A_22 = tpu.memref_slice %arg2[%mul3A_8, %dma_wait3A_21] : memref<2560x128xi32, #tpu.memory_space<hbm>> -> memref<80x128xi32, #tpu.memory_space<hbm>>
      tpu.wait_dma2 semaphore(%run_scoped3A : memref<!tpu.dma_semaphore, #tpu.memory_space<semaphore_mem>>) src(%dma_wait3A_22 : memref<80x128xi32, #tpu.memory_space<hbm>>) dst(%arg4 : memref<80x128xi32, #tpu.memory_space<vmem>>)
      tpu.yield
    }) : () -> ()
    %broadcast_in_dim3A = arith.constant 1.000000e+00 : f32
    %broadcast_in_dim3A_9 = vector.broadcast %broadcast_in_dim3A : f32 to vector<16xf32>
    %scan3A_10 = arith.constant 0 : i32
    %scan3A_11 = arith.constant 0 : i32
    %scan3A_12 = arith.constant 80 : i32
    %scan3A_13 = arith.addi %scan3A_11, %scan3A_12 : i32
    %scan3A_14 = arith.constant 1 : i32
    %scan3A_15 = scf.for %scan3A_17 = %scan3A_11 to %scan3A_13 step %scan3A_14 iter_args(%scan3A_18 = %scan3A_10) -> (i32)  : i32 {
      %scan3A_19 = arith.constant 0 : i32
      %scan3A_20 = arith.constant 0 : i32
      %scan3A_21 = arith.constant 8 : i32
      %scan3A_22 = arith.addi %scan3A_20, %scan3A_21 : i32
      %scan3A_23 = arith.constant 1 : i32
      %scan3A_24 = scf.for %scan3A_27 = %scan3A_20 to %scan3A_22 step %scan3A_23 iter_args(%scan3A_28 = %scan3A_19) -> (i32)  : i32 {
        %mul3A_29 = arith.constant 16 : i32
        %mul3A_30 = arith.muli %scan3A_27, %mul3A_29 : i32
        %get3A = arith.index_cast %scan3A_17 : i32 to index
        %get3A_31 = arith.index_cast %mul3A_30 : i32 to index
        %get3A_32 = tpu.vector_load %arg4[%get3A, %get3A_31] {strides = array<i32>} : memref<80x128xi32, #tpu.memory_space<vmem>>, vector<16xi32>,
        tpu.vector_store_idx %arg5[%get3A_32], %broadcast_in_dim3A_9 {add = true} : memref<10240xf32, #tpu.memory_space<vmem>>[vector<16xi32>], vector<16xf32>,
        %scan3A_33 = arith.constant 0 : i32
        scf.yield %scan3A_33 : i32
      }
      %scan3A_25 = arith.constant 8 : i32
      %scan3A_26 = arith.constant 0 : i32
      scf.yield %scan3A_26 : i32
    }
    %scan3A_16 = arith.constant 80 : i32
    "tpu.region"() ({
      %run_scoped3A = tpu.sem_alloc : memref<!tpu.dma_semaphore, #tpu.memory_space<semaphore_mem>>
      %dma_start3A = arith.constant 0 : i32
      %dma_start3A_17 = tpu.memref_slice %arg3[%add3A, %dma_start3A] : memref<32x10240xf32, #tpu.memory_space<hbm>> -> memref<1x10240xf32, #tpu.memory_space<hbm>>
      %dma_start3A_18 = tpu.memref_squeeze %dma_start3A_17 : memref<1x10240xf32, #tpu.memory_space<hbm>> -> memref<10240xf32, #tpu.memory_space<hbm>>
      %dma_start3A_19 = arith.constant 0 : i32
      %dma_start3A_20 = tpu.memref_slice %arg3[%add3A, %dma_start3A_19] : memref<32x10240xf32, #tpu.memory_space<hbm>> -> memref<1x10240xf32, #tpu.memory_space<hbm>>
      %dma_start3A_21 = tpu.memref_squeeze %dma_start3A_20 : memref<1x10240xf32, #tpu.memory_space<hbm>> -> memref<10240xf32, #tpu.memory_space<hbm>>
      tpu.enqueue_dma source(%arg5 : memref<10240xf32, #tpu.memory_space<vmem>>) target(%dma_start3A_21 : memref<10240xf32, #tpu.memory_space<hbm>>) target_semaphore(%run_scoped3A : memref<!tpu.dma_semaphore, #tpu.memory_space<semaphore_mem>>)
      %dma_wait3A = arith.constant 0 : i32
      %dma_wait3A_22 = tpu.memref_slice %arg3[%add3A, %dma_wait3A] : memref<32x10240xf32, #tpu.memory_space<hbm>> -> memref<1x10240xf32, #tpu.memory_space<hbm>>
      %dma_wait3A_23 = tpu.memref_squeeze %dma_wait3A_22 : memref<1x10240xf32, #tpu.memory_space<hbm>> -> memref<10240xf32, #tpu.memory_space<hbm>>
      %dma_wait3A_24 = arith.constant 0 : i32
      %dma_wait3A_25 = tpu.memref_slice %arg3[%add3A, %dma_wait3A_24] : memref<32x10240xf32, #tpu.memory_space<hbm>> -> memref<1x10240xf32, #tpu.memory_space<hbm>>
      %dma_wait3A_26 = tpu.memref_squeeze %dma_wait3A_25 : memref<1x10240xf32, #tpu.memory_space<hbm>> -> memref<10240xf32, #tpu.memory_space<hbm>>
      tpu.wait_dma2 semaphore(%run_scoped3A : memref<!tpu.dma_semaphore, #tpu.memory_space<semaphore_mem>>) src(%arg5 : memref<10240xf32, #tpu.memory_space<vmem>>) dst(%dma_wait3A_26 : memref<10240xf32, #tpu.memory_space<hbm>>)
      tpu.yield
    }) : () -> ()
    return
  }
}

module attributes {stable_mosaic.version = 14 : i64} {
  func.func @_mm_body(%arg0: i32, %arg1: memref<1000x128xf32, #tpu.memory_space<vmem>>, %arg2: memref<128x128xf32, #tpu.memory_space<vmem>>, %arg3: memref<1000x128xf32, #tpu.memory_space<vmem>>) attributes {dimension_semantics = [#tpu.dimension_semantics<arbitrary>], iteration_bounds = array<i64: 10>, scalar_prefetch = 0 : i64, scratch_operands = 0 : i64, tpu.core_type = #tpu.core_type<tc>, window_params = [{transform_indices = @transform_0, window_bounds = array<i64: 1000, 128>}, {pipeline_mode = #tpu.pipeline_mode<synchronous>, transform_indices = @transform_1, window_bounds = array<i64: 128, 128>}, {transform_indices = @transform_2, window_bounds = array<i64: 1000, 128>}]} {
    %get3A = arith.constant 0 : index
    %get3A_0 = arith.constant 0 : index
    %get3A_1 = vector.load %arg1[%get3A, %get3A_0] : memref<1000x128xf32, #tpu.memory_space<vmem>>, vector<1000x128xf32>
    %get3A_2 = arith.constant 0 : index
    %get3A_3 = arith.constant 0 : index
    %get3A_4 = vector.load %arg2[%get3A_2, %get3A_3] : memref<128x128xf32, #tpu.memory_space<vmem>>, vector<128x128xf32>
    %dot_general3A = arith.constant dense<0.000000e+00> : vector<1000x128xf32>
    %dot_general3A_5 = tpu.matmul %get3A_1, %get3A_4, %dot_general3A {dimension_numbers = #tpu.dot_dimension_numbers<[1], [0], [0], [1], [0, 0, 1, 1], [], []>, transpose_lhs_hint = false} : vector<1000x128xf32>, vector<128x128xf32>, vector<1000x128xf32> -> vector<1000x128xf32>
    %swap3A = arith.constant 0 : index
    %swap3A_6 = arith.constant 0 : index
    %swap3A_7 = vector.load %arg3[%swap3A, %swap3A_6] : memref<1000x128xf32, #tpu.memory_space<vmem>>, vector<1000x128xf32>
    tpu.vector_store %arg3[%swap3A, %swap3A_6], %dot_general3A_5 {strides = array<i32>} : memref<1000x128xf32, #tpu.memory_space<vmem>>, vector<1000x128xf32>,
    return
  }
  func.func @transform_0(%arg0: i32) -> (i32, i32) {
    %c0_i32 = arith.constant 0 : i32
    %c0_i32_0 = arith.constant 0 : i32
    return %arg0, %c0_i32 : i32, i32
  }
  func.func @transform_1(%arg0: i32) -> (i32, i32) {
    %c0_i32 = arith.constant 0 : i32
    %c0_i32_0 = arith.constant 0 : i32
    %c0_i32_1 = arith.constant 0 : i32
    return %c0_i32, %c0_i32_0 : i32, i32
  }
  func.func @transform_2(%arg0: i32) -> (i32, i32) {
    %c0_i32 = arith.constant 0 : i32
    %c0_i32_0 = arith.constant 0 : i32
    return %arg0, %c0_i32 : i32, i32
  }
}

module attributes {stable_mosaic.version = 14 : i64} {
  func.func @_mid_body(%arg0: i32, %arg1: memref<1000x128xf32, #tpu.memory_space<vmem>>, %arg2: memref<1000x32xf32, #tpu.memory_space<vmem>>, %arg3: memref<1000x128xf32, #tpu.memory_space<vmem>>) attributes {dimension_semantics = [#tpu.dimension_semantics<arbitrary>], iteration_bounds = array<i64: 10>, scalar_prefetch = 0 : i64, scratch_operands = 0 : i64, tpu.core_type = #tpu.core_type<tc>, window_params = [{transform_indices = @transform_0, window_bounds = array<i64: 1000, 128>}, {transform_indices = @transform_1, window_bounds = array<i64: 1000, 32>}, {transform_indices = @transform_2, window_bounds = array<i64: 1000, 128>}]} {
    %get3A = arith.constant 0 : index
    %get3A_0 = arith.constant 0 : index
    %get3A_1 = vector.load %arg2[%get3A, %get3A_0] : memref<1000x32xf32, #tpu.memory_space<vmem>>, vector<1000x32xf32>
    %reduce_sum3A = arith.constant dense<0.000000e+00> : vector<1000xf32>
    %reduce_sum3A_2 = vector.multi_reduction <add>, %get3A_1, %reduce_sum3A [1] : vector<1000x32xf32> to vector<1000xf32>
    %broadcast_in_dim3A = vector.shape_cast %reduce_sum3A_2 : vector<1000xf32> to vector<1000x1xf32>
    %add3A = arith.constant 1.000000e+00 : f32
    %add3A_3 = vector.broadcast %add3A : f32 to vector<1000x1xf32>
    %add3A_4 = arith.addf %broadcast_in_dim3A, %add3A_3 : vector<1000x1xf32>
    %get3A_5 = arith.constant 0 : index
    %get3A_6 = arith.constant 0 : index
    %get3A_7 = vector.load %arg1[%get3A_5, %get3A_6] : memref<1000x128xf32, #tpu.memory_space<vmem>>, vector<1000x128xf32>
    %rsqrt3A = math.rsqrt %add3A_4 : vector<1000x1xf32>
    %mul3A = vector.broadcast %rsqrt3A : vector<1000x1xf32> to vector<1000x128xf32>
    %mul3A_8 = arith.mulf %get3A_7, %mul3A : vector<1000x128xf32>
    %swap3A = arith.constant 0 : index
    %swap3A_9 = arith.constant 0 : index
    %swap3A_10 = vector.load %arg3[%swap3A, %swap3A_9] : memref<1000x128xf32, #tpu.memory_space<vmem>>, vector<1000x128xf32>
    tpu.vector_store %arg3[%swap3A, %swap3A_9], %mul3A_8 {strides = array<i32>} : memref<1000x128xf32, #tpu.memory_space<vmem>>, vector<1000x128xf32>,
    return
  }
  func.func @transform_0(%arg0: i32) -> (i32, i32) {
    %c0_i32 = arith.constant 0 : i32
    %c0_i32_0 = arith.constant 0 : i32
    return %arg0, %c0_i32 : i32, i32
  }
  func.func @transform_1(%arg0: i32) -> (i32, i32) {
    %c0_i32 = arith.constant 0 : i32
    %c0_i32_0 = arith.constant 0 : i32
    return %arg0, %c0_i32 : i32, i32
  }
  func.func @transform_2(%arg0: i32) -> (i32, i32) {
    %c0_i32 = arith.constant 0 : i32
    %c0_i32_0 = arith.constant 0 : i32
    return %arg0, %c0_i32 : i32, i32
  }
}

module attributes {stable_mosaic.version = 14 : i64} {
  func.func @_epi_body(%arg0: i32, %arg1: memref<2x1000x128xf32, #tpu.memory_space<vmem>>, %arg2: memref<1000x128xf32, #tpu.memory_space<vmem>>, %arg3: memref<1000x128xf32, #tpu.memory_space<vmem>>, %arg4: memref<1000x32xf32, #tpu.memory_space<vmem>>, %arg5: memref<1x128xf32, #tpu.memory_space<vmem>>, %arg6: memref<1x128xf32, #tpu.memory_space<vmem>>, %arg7: memref<1x128xf32, #tpu.memory_space<vmem>>, %arg8: memref<1000x128xf32, #tpu.memory_space<vmem>>) attributes {dimension_semantics = [#tpu.dimension_semantics<arbitrary>], iteration_bounds = array<i64: 10>, scalar_prefetch = 0 : i64, scratch_operands = 0 : i64, tpu.core_type = #tpu.core_type<tc>, window_params = [{transform_indices = @transform_0, window_bounds = array<i64: 2, 1000, 128>}, {transform_indices = @transform_1, window_bounds = array<i64: 1000, 128>}, {transform_indices = @transform_2, window_bounds = array<i64: 1000, 128>}, {transform_indices = @transform_3, window_bounds = array<i64: 1000, 32>}, {pipeline_mode = #tpu.pipeline_mode<synchronous>, transform_indices = @transform_4, window_bounds = array<i64: 1, 128>}, {pipeline_mode = #tpu.pipeline_mode<synchronous>, transform_indices = @transform_5, window_bounds = array<i64: 1, 128>}, {pipeline_mode = #tpu.pipeline_mode<synchronous>, transform_indices = @transform_6, window_bounds = array<i64: 1, 128>}, {transform_indices = @transform_7, window_bounds = array<i64: 1000, 128>}]} {
    %get3A = arith.constant 0 : index
    %get3A_0 = arith.constant 0 : index
    %get3A_1 = vector.load %arg4[%get3A, %get3A_0] : memref<1000x32xf32, #tpu.memory_space<vmem>>, vector<1000x32xf32>
    %reduce_sum3A = arith.constant dense<0.000000e+00> : vector<1000xf32>
    %reduce_sum3A_2 = vector.multi_reduction <add>, %get3A_1, %reduce_sum3A [1] : vector<1000x32xf32> to vector<1000xf32>
    %broadcast_in_dim3A = vector.shape_cast %reduce_sum3A_2 : vector<1000xf32> to vector<1000x1xf32>
    %add3A = arith.constant 1.000000e+00 : f32
    %add3A_3 = vector.broadcast %add3A : f32 to vector<1000x1xf32>
    %add3A_4 = arith.addf %broadcast_in_dim3A, %add3A_3 : vector<1000x1xf32>
    %rsqrt3A = math.rsqrt %add3A_4 : vector<1000x1xf32>
    %get3A_5 = arith.constant 0 : index
    %get3A_6 = arith.constant 0 : index
    %get3A_7 = arith.constant 0 : index
    %get3A_8 = vector.load %arg1[%get3A_5, %get3A_6, %get3A_7] : memref<2x1000x128xf32, #tpu.memory_space<vmem>>, vector<1x1000x128xf32>
    %get3A_9 = vector.shape_cast %get3A_8 : vector<1x1000x128xf32> to vector<1000x128xf32>
    %get3A_10 = arith.constant 1 : index
    %get3A_11 = arith.constant 0 : index
    %get3A_12 = arith.constant 0 : index
    %get3A_13 = vector.load %arg1[%get3A_10, %get3A_11, %get3A_12] : memref<2x1000x128xf32, #tpu.memory_space<vmem>>, vector<1x1000x128xf32>
    %get3A_14 = vector.shape_cast %get3A_13 : vector<1x1000x128xf32> to vector<1000x128xf32>
    %add3A_15 = arith.addf %get3A_9, %get3A_14 : vector<1000x128xf32>
    %get3A_16 = arith.constant 0 : index
    %get3A_17 = arith.constant 0 : index
    %get3A_18 = vector.load %arg2[%get3A_16, %get3A_17] : memref<1000x128xf32, #tpu.memory_space<vmem>>, vector<1000x128xf32>
    %add3A_19 = arith.addf %add3A_15, %get3A_18 : vector<1000x128xf32>
    %mul3A = vector.broadcast %rsqrt3A : vector<1000x1xf32> to vector<1000x128xf32>
    %mul3A_20 = arith.mulf %mul3A, %add3A_19 : vector<1000x128xf32>
    %get3A_21 = arith.constant 0 : index
    %get3A_22 = arith.constant 0 : index
    %get3A_23 = vector.load %arg5[%get3A_21, %get3A_22] : memref<1x128xf32, #tpu.memory_space<vmem>>, vector<1x128xf32>
    %add3A_24 = vector.broadcast %get3A_23 : vector<1x128xf32> to vector<1000x128xf32>
    %add3A_25 = arith.addf %mul3A_20, %add3A_24 : vector<1000x128xf32>
    %get3A_26 = arith.constant 0 : index
    %get3A_27 = arith.constant 0 : index
    %get3A_28 = vector.load %arg3[%get3A_26, %get3A_27] : memref<1000x128xf32, #tpu.memory_space<vmem>>, vector<1000x128xf32>
    %add3A_29 = arith.addf %add3A_25, %get3A_28 : vector<1000x128xf32>
    %reduce_sum3A_30 = arith.constant dense<0.000000e+00> : vector<1000xf32>
    %reduce_sum3A_31 = vector.multi_reduction <add>, %add3A_29, %reduce_sum3A_30 [1] : vector<1000x128xf32> to vector<1000xf32>
    %broadcast_in_dim3A_32 = vector.shape_cast %reduce_sum3A_31 : vector<1000xf32> to vector<1000x1xf32>
    %div3A = arith.constant 1.280000e+02 : f32
    %div3A_33 = vector.broadcast %div3A : f32 to vector<1000x1xf32>
    %div3A_34 = arith.divf %broadcast_in_dim3A_32, %div3A_33 : vector<1000x1xf32>
    %sub3A = vector.broadcast %div3A_34 : vector<1000x1xf32> to vector<1000x128xf32>
    %sub3A_35 = arith.subf %add3A_29, %sub3A : vector<1000x128xf32>
    %integer_pow3A = arith.mulf %sub3A_35, %sub3A_35 : vector<1000x128xf32>
    %reduce_sum3A_36 = arith.constant dense<0.000000e+00> : vector<1000xf32>
    %reduce_sum3A_37 = vector.multi_reduction <add>, %integer_pow3A, %reduce_sum3A_36 [1] : vector<1000x128xf32> to vector<1000xf32>
    %broadcast_in_dim3A_38 = vector.shape_cast %reduce_sum3A_37 : vector<1000xf32> to vector<1000x1xf32>
    %div3A_39 = arith.constant 1.280000e+02 : f32
    %div3A_40 = vector.broadcast %div3A_39 : f32 to vector<1000x1xf32>
    %div3A_41 = arith.divf %broadcast_in_dim3A_38, %div3A_40 : vector<1000x1xf32>
    %sub3A_42 = vector.broadcast %div3A_34 : vector<1000x1xf32> to vector<1000x128xf32>
    %sub3A_43 = arith.subf %add3A_29, %sub3A_42 : vector<1000x128xf32>
    %add3A_44 = arith.constant 9.99999974E-6 : f32
    %add3A_45 = vector.broadcast %add3A_44 : f32 to vector<1000x1xf32>
    %add3A_46 = arith.addf %div3A_41, %add3A_45 : vector<1000x1xf32>
    %rsqrt3A_47 = math.rsqrt %add3A_46 : vector<1000x1xf32>
    %mul3A_48 = vector.broadcast %rsqrt3A_47 : vector<1000x1xf32> to vector<1000x128xf32>
    %mul3A_49 = arith.mulf %sub3A_43, %mul3A_48 : vector<1000x128xf32>
    %get3A_50 = arith.constant 0 : index
    %get3A_51 = arith.constant 0 : index
    %get3A_52 = vector.load %arg6[%get3A_50, %get3A_51] : memref<1x128xf32, #tpu.memory_space<vmem>>, vector<1x128xf32>
    %mul3A_53 = vector.broadcast %get3A_52 : vector<1x128xf32> to vector<1000x128xf32>
    %mul3A_54 = arith.mulf %mul3A_49, %mul3A_53 : vector<1000x128xf32>
    %get3A_55 = arith.constant 0 : index
    %get3A_56 = arith.constant 0 : index
    %get3A_57 = vector.load %arg7[%get3A_55, %get3A_56] : memref<1x128xf32, #tpu.memory_space<vmem>>, vector<1x128xf32>
    %add3A_58 = vector.broadcast %get3A_57 : vector<1x128xf32> to vector<1000x128xf32>
    %add3A_59 = arith.addf %mul3A_54, %add3A_58 : vector<1000x128xf32>
    %max3A = arith.constant 0.000000e+00 : f32
    %max3A_60 = vector.broadcast %max3A : f32 to vector<1000x128xf32>
    %max3A_61 = arith.maximumf %add3A_59, %max3A_60 : vector<1000x128xf32>
    %swap3A = arith.constant 0 : index
    %swap3A_62 = arith.constant 0 : index
    %swap3A_63 = vector.load %arg8[%swap3A, %swap3A_62] : memref<1000x128xf32, #tpu.memory_space<vmem>>, vector<1000x128xf32>
    tpu.vector_store %arg8[%swap3A, %swap3A_62], %max3A_61 {strides = array<i32>} : memref<1000x128xf32, #tpu.memory_space<vmem>>, vector<1000x128xf32>,
    return
  }
  func.func @transform_0(%arg0: i32) -> (i32, i32, i32) {
    %c0_i32 = arith.constant 0 : i32
    %c0_i32_0 = arith.constant 0 : i32
    %c0_i32_1 = arith.constant 0 : i32
    return %c0_i32, %arg0, %c0_i32_0 : i32, i32, i32
  }
  func.func @transform_1(%arg0: i32) -> (i32, i32) {
    %c0_i32 = arith.constant 0 : i32
    %c0_i32_0 = arith.constant 0 : i32
    return %arg0, %c0_i32 : i32, i32
  }
  func.func @transform_2(%arg0: i32) -> (i32, i32) {
    %c0_i32 = arith.constant 0 : i32
    %c0_i32_0 = arith.constant 0 : i32
    return %arg0, %c0_i32 : i32, i32
  }
  func.func @transform_3(%arg0: i32) -> (i32, i32) {
    %c0_i32 = arith.constant 0 : i32
    %c0_i32_0 = arith.constant 0 : i32
    return %arg0, %c0_i32 : i32, i32
  }
  func.func @transform_4(%arg0: i32) -> (i32, i32) {
    %c0_i32 = arith.constant 0 : i32
    %c0_i32_0 = arith.constant 0 : i32
    %c0_i32_1 = arith.constant 0 : i32
    return %c0_i32, %c0_i32_0 : i32, i32
  }
  func.func @transform_5(%arg0: i32) -> (i32, i32) {
    %c0_i32 = arith.constant 0 : i32
    %c0_i32_0 = arith.constant 0 : i32
    %c0_i32_1 = arith.constant 0 : i32
    return %c0_i32, %c0_i32_0 : i32, i32
  }
  func.func @transform_6(%arg0: i32) -> (i32, i32) {
    %c0_i32 = arith.constant 0 : i32
    %c0_i32_0 = arith.constant 0 : i32
    %c0_i32_1 = arith.constant 0 : i32
    return %c0_i32, %c0_i32_0 : i32, i32
  }
  func.func @transform_7(%arg0: i32) -> (i32, i32) {
    %c0_i32 = arith.constant 0 : i32
    %c0_i32_0 = arith.constant 0 : i32
    return %arg0, %c0_i32 : i32, i32
  }
}

</mosaic_0001>

<sc_bundles>
// kernel: kernel.10.cloned.1.call-start
scs
__scs_entry_jumppad:
0x0: {  	(pc) =	sbr.rel $0x88, $3  }
0x1: {  	(tag) =	ssettag $0x0;
	lr =	simm.s32 $0x1  }
0x2: {  	[smem:$0x3F9B] =	sst lr;
	_ =	strace $0xD0000000  }
0x3: {  	_ = 	snop  }
0x4: {  	_ = 	snop  }
0x5: {  	_ = 	snop  }
0x6: {  	_ = 	snop  }
0x7: {  	_ = 	snop  }
__scs_overlays_trampoline_lowered:
0x8: {  	[smem:$0x3FAA] =	sst s0  }
0x9: {  	[smem:$0x3FAB] =	sst s1  }
0xa: {  	[smem:$0x3FAC] =	sst s2  }
0xb: {  	[smem:$0x3FAD] =	sst s3  }
0xc: {  	[smem:$0x3FAE] =	sst s4  }
0xd: {  	[smem:$0x3FAF] =	sst s5  }
0xe: {  	[smem:$0x3FB0] =	sst s6  }
0xf: {  	[smem:$0x3FB1] =	sst s7  }
0x10: {  	[smem:$0x3FB2] =	sst s8  }
0x11: {  	[smem:$0x3FB3] =	sst s9;
	s0 =	simm.s32 @!p0 $0x0  }
0x12: {  	s1 =	sld [smem:$0x3F99];
	s0 =	simm.s32 @p0 $0x1  }
0x13: {  	[smem:$0x3FB4] =	sst s0;
	s0 =	simm.s32 @!p1 $0x0  }
0x14: {  	s2 =	sld [smem:$0x3F98];
	s0 =	simm.s32 @p1 $0x1  }
0x15: {  	[smem:$0x3FB5] =	sst s0;
	s0 =	simm.s32 @!p2 $0x0  }
0x16: {  	s3 =	sld [smem:$0x3FDB];
	s0 =	simm.s32 @p2 $0x1  }
0x17: {  	s4 =	simm.s32 $0x1BF5;
	[smem:$0x3FB7] =	sst s0  }
0x18: {  	s0 =	sld [smem:$0x3F9A];
	_ =	swait.ge [sflag:s4], $0x0  }
0x19: {  	s7 =	sld [smem:$0x3F9B]  }
0x1a: {  	s8 =	sadd.s32 $0xFFFFE003, lr  }
0x1b: {  	s9 =	sadd.s32 $0xFFFFFEF7, lr;
	s5 =	simm.s32 $0xFFFFFFFF;
	p2 =	slt.u32 s8, $0xFFFFF086  }
0x1c: {  	p1 =	slt.u32 s9, $0xF7A;
	s5 =	simm.s32 @!p2 $0x0  }
0x1d: {  	s5 =	simm.s32 @p1 $0x1;
	p0 =	seq.s32 s7, s2  }
0x1e: {  	s7 =	smul.u32 @!p0 $0xF7A, s2;
	p2 =	seq.s32 @!p0 s5, $0x0  }
0x1f: {  	s9 =	smul.u32 $0xF7A, s1;
	s8 =	simm.s32 @!p0 $0x1BF5;
	p2 =	por !p2, p0  }
0x20: {  	[sflag:s8] =	ssyncset.s32 @!p0 $0xFFFFF086;
	s6 =	sadd.s32 @!p0 s3, s7;
	s7 =	simm.s32 @!p0 $0x108  }
0x21: {  	s3 =	sadd.s32 s3, s9;
	s6 =	sadd.s32 @!p0 $0x88, s6;
	s7 =	simm.s32 @p2 $0x1082  }
0x22: {  	[simem:s7], [sflag:s8] =	dma.local @!p0 [hbm:s6], $0xF7A  }
0x23: {  	s9 =	sor.u32 $0xD0000000, s2;
	s6 =	simm.s32 $0x108;
	_ =	swait.ge @!p0 [sflag:s8], $0x0  }
0x24: {  	s3 =	sadd.s32 $0x88, s3;
	s6 =	simm.s32 @!p1 $0x1082;
	[sflag:s4] =	ssyncset.s32 $0xFFFFF086  }
0x25: {  	[simem:s6], [sflag:s4] =	dma.local [hbm:s3], $0xF7A  }
0x26: {  	[smem:$0x3F9B] =	sst s1;
	(tag) =	ssettag s2;
	_ =	strace s9  }
0x27: {  	s1 =	sld [smem:$0x3FAB]  }
0x28: {  	s2 =	sld [smem:$0x3FAC]  }
0x29: {  	s4 =	sld [smem:$0x3FAE]  }
0x2a: {  	p0 =	seq.s32 s5, $0x0;
	s5 =	sld [smem:$0x3FAF]  }
0x2b: {  	s6 =	sld [smem:$0x3FB0]  }
0x2c: {  	s7 =	sld [smem:$0x3FB1]  }
0x2d: {  	s3 =	simm.s32 $0x108;
	s8 =	sld [smem:$0x3FB2]  }
0x2e: {  	s3 =	simm.s32 @!p0 $0x1082;
	s9 =	sld [smem:$0x3FB3]  }
0x2f: {  	lr =	sadd.s32 s0, s3;
	s0 =	sld [smem:$0x3FAA]  }
0x30: {  	s3 =	sld [smem:$0x3FAD]  }
0x31: {  	[smem:$0x3FB6] =	sst s10  }
0x32: {  	s10 =	sld [smem:$0x3FB4];
	_ =	sdelay $0x3  }
0x33: {  	p0 =	seq.s32 s10, $0x1;
	s10 =	sld [smem:$0x3FB6];
	_ =	sdelay $0x3  }
0x34: {  	[smem:$0x3FB6] =	sst s10  }
0x35: {  	s10 =	sld [smem:$0x3FB5];
	_ =	sdelay $0x3  }
0x36: {  	p1 =	seq.s32 s10, $0x1;
	s10 =	sld [smem:$0x3FB6];
	_ =	sdelay $0x3  }
0x37: {  	[smem:$0x3FB6] =	sst s10  }
0x38: {  	s10 =	sld [smem:$0x3FB7]  }
0x39: {  	_ = 	snop;
	(pc) =	sbr.ind lr, $3  }
0x3a: {  	_ = 	snop  }
0x3b: {  	_ = 	snop  }
0x3c: {  	p2 =	seq.s32 s10, $0x1;
	s10 =	sld [smem:$0x3FB6]  }
0x3d: {  	_ =	shalt  }
0x3e: {  	_ =	shalt  }
0x3f: {  	_ =	shalt  }
0x40: {  	_ =	shalt  }
0x41: {  	_ =	shalt  }
0x42: {  	_ =	shalt  }
0x43: {  	_ =	shalt  }
0x44: {  	_ =	shalt  }
0x45: {  	_ =	shalt  }
0x46: {  	_ =	shalt  }
0x47: {  	_ =	shalt  }
0x48: {  	_ =	shalt  }
0x49: {  	_ =	shalt  }
0x4a: {  	_ =	shalt  }
0x4b: {  	_ =	shalt  }
0x4c: {  	_ =	shalt  }
0x4d: {  	_ =	shalt  }
0x4e: {  	_ =	shalt  }
0x4f: {  	_ =	shalt  }
0x50: {  	_ =	shalt  }
0x51: {  	_ =	shalt  }
0x52: {  	_ =	shalt  }
0x53: {  	_ =	shalt  }
0x54: {  	_ =	shalt  }
0x55: {  	_ =	shalt  }
0x56: {  	_ =	shalt  }
0x57: {  	_ =	shalt  }
0x58: {  	_ =	shalt  }
0x59: {  	_ =	shalt  }
0x5a: {  	_ =	shalt  }
0x5b: {  	_ =	shalt  }
0x5c: {  	_ =	shalt  }
0x5d: {  	_ =	shalt  }
0x5e: {  	_ =	shalt  }
0x5f: {  	_ =	shalt  }
0x60: {  	_ =	shalt  }
0x61: {  	_ =	shalt  }
0x62: {  	_ =	shalt  }
0x63: {  	_ =	shalt  }
0x64: {  	_ =	shalt  }
0x65: {  	_ =	shalt  }
0x66: {  	_ =	shalt  }
0x67: {  	_ =	shalt  }
0x68: {  	_ =	shalt  }
0x69: {  	_ =	shalt  }
0x6a: {  	_ =	shalt  }
0x6b: {  	_ =	shalt  }
0x6c: {  	_ =	shalt  }
0x6d: {  	_ =	shalt  }
0x6e: {  	_ =	shalt  }
0x6f: {  	_ =	shalt  }
0x70: {  	_ =	shalt  }
0x71: {  	_ =	shalt  }
0x72: {  	_ =	shalt  }
0x73: {  	_ =	shalt  }
0x74: {  	_ =	shalt  }
0x75: {  	_ =	shalt  }
0x76: {  	_ =	shalt  }
0x77: {  	_ =	shalt  }
0x78: {  	_ =	shalt  }
0x79: {  	_ =	shalt  }
0x7a: {  	_ =	shalt  }
0x7b: {  	_ =	shalt  }
0x7c: {  	_ =	shalt  }
0x7d: {  	_ =	shalt  }
0x7e: {  	_ =	shalt  }
0x7f: {  	_ =	shalt  }
0x80: {  	_ =	shalt  }
0x81: {  	_ =	shalt  }
0x82: {  	_ =	shalt  }
0x83: {  	_ =	shalt  }
0x84: {  	_ =	shalt  }
0x85: {  	_ =	shalt  }
0x86: {  	_ =	shalt  }
0x87: {  	_ =	shalt  }
.Lfunc_end0:
.L_simem_size_0:
called_computation.1_lowered:
.L_overlay_start_0:
0x88: {  	s2 =	sld [smem:$0x3FD9]  }
0x89: {  	s3 =	sld [smem:$0x3FFE];
	_ =	sdelay $0x1  }
0x8a: {  	s1 =	srdreg.scid  }
0x8b: {  	s0 =	sand.u32 $0x1, s1  }
0x8c: {  	s17 =	sshll.u32 s0, $0xA;
	s2 =	sadd.s32 s3, s2  }
0x8d: {  	s2 =	sadd.s32 s2, s17  }
0x8e: {  	[smem:$0x3FC2] =	sst s2  }
0x8f: {  	_ = 	snop  }
0x90: {  	s2 =	sld [smem:$0x3FD0];
	(tm) =	ssettm $0x1  }
0x91: {  	s18 =	sld [smem:$0x3FFB];
	_ =	sdelay $0x3  }
0x92: {  	_ =	strace s18  }
0x93: {  	s3 =	sld [smem:$0x3FFC];
	_ =	sdelay $0x3  }
0x94: {  	_ =	strace s3  }
0x95: {  	s3 =	sld [smem:$0x3FFD];
	_ =	sdelay $0x3  }
0x96: {  	_ =	strace s3  }
0x97: {  	_ =	strace $0x8FFFFFFF  }
0x98: {  	s19 =	sld [smem:$0x3FDB];
	_ =	sdelay $0x1  }
0x99: {  	s4 =	simm.s32 $_scs_section_size  }
0x9a: {  	s5 =	simm.s32 $_size__tile_overlayer_lowered;
	s6 =	simm.s32 $_tile_overlayer_lowered  }
0x9b: {  	s22 =	simm.s32 $0x1BFF;
	s21 =	sshll.u32 s6, $0x1;
	s3 =	sadd.s32 s4, s19  }
0x9c: {  	s7 =	simm.s32 $0x0;
	s20 =	sshll.u32 s5, $0x1;
	s5 =	sadd.s32 s21, s3  }
0x9d: {  	[timem:s7], [sflag:s22] =	dma.local [hbm:s5], s20  }
0x9e: {  	_ =	swait.ge [sflag:s22], s20  }
0x9f: {  	s4 =	ssub.s32 $0x0, s20;
	[sflag:s22] =	ssyncset.done $0x0  }
0xa0: {  	[sflag:s22] =	ssyncadd.s32 s4;
	_ =	sdelay $0x1  }
0xa1: {  	s23 =	simm.s32 $0x1B8B  }
0xa2: {  	_ =	swait.ge [sflag:s23], $0x1  }
0xa3: {  	[sflag:s23] =	ssyncset.done $0x0  }
0xa4: {  	s25 =	simm.s32 $0x1B8E;
	s24 =	sld [smem:$0x3FFE];
	[sflag:s23] =	ssyncadd.s32 $0xFFFFFFFF  }
0xa5: {  	s26 =	simm.s32 $execute0_lowered;
	[smem:$0x3FD2] =	sst s25  }
0xa6: {  	s5 =	sshll.u32 s26, $0x1;
	_ =	strace $0x80000049;
	[dreg:$0x1] =	wrdreg $0xFFFFFFFF  }
0xa7: {  	s28 =	simm.s32 $_size_execute0_lowered;
	s3 =	sadd.s32 s3, s5;
	[dreg:$0x0] =	wrdreg $0x0  }
0xa8: {  	s5 =	sshll.u32 s28, $0x1;
	[dreg:$0x2] =	wrdreg s3  }
0xa9: {  	[dreg:$0x3] =	wrdreg s5  }
0xaa: {  	[dreg:$0x4] =	wrdreg $0xC0  }
0xab: {  	_ =	task [dreg:s7], $0x5FFFF  }
0xac: {  	[dreg:$0x1] =	wrdreg $0xFFFFFFFF  }
0xad: {  	[dreg:$0x0] =	wrdreg $0x60  }
0xae: {  	[dreg:$0x2] =	wrdreg s2  }
0xaf: {  	[dreg:$0x3] =	wrdreg s24  }
0xb0: {  	[dreg:$0x4] =	wrdreg $0x90000  }
0xb1: {  	[dreg:$0x5] =	wrdreg $0x9  }
0xb2: {  	_ =	task.clear_ibuf [dreg:s7], $0x6FFFF;
	_ =	strace $0x90000049  }
0xb3: {  	s29 =	simm.s32 $0x9;
	_ =	strace $0x8000004B  }
0xb4: {  	_ =	swait.ge [sflag:s29], $0x1  }
0xb5: {  	[sflag:s29] =	ssyncadd.s32 $0xFFFFFFFF  }
0xb6: {  	_ =	strace $0x9000004B  }
0xb7: {  	_ =	sfence  }
0xb8: {  	s30 =	sld [smem:$0x0];
	_ =	sdelay $0x2  }
0xb9: {  	s31 =	sshll.u32 s1, $0xD;
	s1 =	sshrl.u32 s1, $0x2  }
0xba: {  	s3 =	sand.u32 $0x4000, s31;
	s1 =	sadd.s32 s1, s30  }
0xbb: {  	s0 =	sor.u32 s3, s0;
	s1 =	sshll.u32 s1, $0x11  }
0xbc: {  	s0 =	sor.u32 s1, s0  }
0xbd: {  	s0 =	sadd.s32 $0x8F2B, s0  }
0xbe: {  	[sflag:s0] =	ssyncadd.remote.s32 $0x1  }
0xbf: {  	_ =	sfence.sel $0xFFFF  }
0xc0: {  	[dreg:$0x0] =	wrdreg $0xFFFFFFFF;
	(pc) =	sbr.abs _section_cstart, $3  }
0xc1: {  	[dreg:$0x1] =	wrdreg $0xFFFFFFFF  }
0xc2: {  	_ =	task.clear_ibuf [dreg:s7], $0x2FFFF;
	_ =	strace $0x9FFFFFFF  }
0xc3: {  	(tm) =	ssettm $0x7FFFFFFF  }
tec
execute0_lowered:
.L_overlay_start_1:
0x0: {  	(tag) =	ssettag $0x1  }
0x1: {  	s1 =	rddreg [dreg:$0x0]  }
0x2: {  	s0 =	rddreg [dreg:$0x1]  }
0x3: {  	s3 =	rddreg [dreg:$0x2]  }
0x4: {  	s2 =	srdreg.scid;
	s8 =	stileid.u32  }
0x5: {  	s14 =	simm.s32 $0x1000;
	s15 =	simm.s32 $0x3;
	s16 =	simm.s32 $0x800  }
0x6: {  	s17 =	simm.s32 $0x80;
	s18 =	simm.s32 $0x5000;
	s28 =	simm.s32 $0x500  }
0x7: {  	s29 =	simm.s32 $0xC80;
	s10 =	simm.s32 $0xE00;
	s11 =	simm.s32 $0x700  }
0x8: {  	s12 =	simm.s32 $0xE80;
	s13 =	simm.s32 $0x780;
	s5 =	smul.u32 $0x90, s8  }
0x9: {  	s2 =	sand.u32 $0x1, s2;
	s4 =	sshll.u32 s8, $0x4;
	s19 =	smul.u32 $0x14000, s8  }
0xa: {  	s8 =	smul.u32 $0x50000, s8;
	p0 =	seq.s32 s2, $0x0;
	s6 =	sor.u32 $0x900, s4  }
0xb: {  	s7 =	smul.u32 $0x140000, s2;
	s4 =	simm.s32 $0x0;
	s20 =	ssub.s32 $0x2, s2  }
0xc: {  	s6 =	smov.u32 @p0 s5;
	[smem:$0x7FF] =	sst s4;
	s8 =	sshrl.u32 s8, $0x2  }
0xd: {  	s9 =	sshrl.u32 s20, $0x1;
	p0 =	sne.s32 s2, $0x0;
	s2 =	simm.s32 $0x0  }
0xe: {  	s6 =	sshll.u32 s6, $0x4;
	_ =	strace $0x8000004A;
	s5 =	sadd.s32 s19, s7  }
0xf: {  	s8 =	sadd.s32 s8, s3;
	s21 =	ssub.s32 s20, s9;
	s19 =	simm.s32 $0x1  }
0x10: {  	s7 =	simm.s32 $0x600;
	s22 =	sadd.s32 $0x4000, s8;
	[dreg:$0x4] =	wrdreg s8  }
0x11: {  	s9 =	simm.s32 $0x680;
	s23 =	sadd.s32 $0x8000, s8;
	[dreg:$0x5] =	wrdreg s22  }
0x12: {  	s20 =	simm.s32 $0xF80;
	s24 =	sadd.s32 $0xC000, s8;
	[dreg:$0x6] =	wrdreg s23  }
0x13: {  	s6 =	sadd.s32 s6, s0;
	s25 =	sadd.s32 $0x10000, s8;
	[dreg:$0x7] =	wrdreg s24  }
0x14: {  	s5 =	sshrl.u32 s5, $0x3;
	s26 =	smax.u32 s21, $0x1;
	[dreg:$0x8] =	wrdreg s25  }
0x15: {  	s21 =	simm.s32 $0x2;
	s0 =	sadd.s32 s5, s0;
	[dreg:$0xa] =	wrdreg s26  }
0x16: {  	s30 =	sadd.s32 $0xBC00, s6;
	s31 =	sadd.s32 $0x1C00, s6;
	s23 =	simm.s32 $0x400  }
0x17: {  	s24 =	simm.s32 $0xB80;
	s25 =	simm.s32 $0x480;
	[dreg:$0xb] =	wrdreg s30  }
0x18: {  	s26 =	simm.s32 $0xC00;
	s0 =	sadd.s32 $0x15C00, s0;
	[dreg:$0xc] =	wrdreg s31  }
0x19: {  	v0 =	vimm.f32 $0.0e+00;
	s6 =	simm.s32 $0xD00;
	s5 =	simm.s32 $0xF00;
	[dreg:$0x9] =	wrdreg s0  }
.LBB2_1:
0x1a: {  	[dreg:$0xd] =	wrdreg s2;
	s0 =	simm.s32 $0x0;
	s30 =	simm.s32 $0x200  }
.LBB2_2:
0x1b: {  	p1 =	sne.s32 s30, $0xFE00;
	[tilespmem:s0+$0x1070] =	vst v0  }
0x1c: {  	[tilespmem:s0+$0x1000] =	vst v0  }
0x1d: {  	[tilespmem:s0+$0x1010] =	vst v0  }
.Ltmp0:
0x1e: {  	[tilespmem:s0+$0x1020] =	vst v0;
	(pc) =	sbr.rel @p1 .LBB2_2-.Ltmp0, $4  }
0x1f: {  	[tilespmem:s0+$0x1030] =	vst v0  }
0x20: {  	[tilespmem:s0+$0x1040] =	vst v0  }
0x21: {  	[tilespmem:s0+$0x1050] =	vst v0  }
0x22: {  	[tilespmem:s0+$0x1060] =	vst v0;
	s0 =	sshra.s32 s30, $0x2;
	s30 =	sadd.s32 $0x200, s30  }
0x23: {  	[tilespmem:s0+$0x1070] =	vst v0  }
0x24: {  	[tilespmem:s0+$0x1000] =	vst v0  }
0x25: {  	[tilespmem:s0+$0x1010] =	vst v0  }
0x26: {  	[tilespmem:s0+$0x1020] =	vst v0  }
0x27: {  	[tilespmem:s0+$0x1030] =	vst v0  }
0x28: {  	[tilespmem:s0+$0x1040] =	vst v0  }
0x29: {  	[tilespmem:s0+$0x1050] =	vst v0  }
0x2a: {  	[tilespmem:s0+$0x1060] =	vst v0  }
0x2b: {  	[spmem:s8] =	stream.linear.scatter [tilespmem:s14], [sflag:$0x3], $0x4000, $0x38;
	[tilespmem:$0x1D000] =	vst v63  }
0x2c: {  	_ =	swait.ge [sflag:s15], $0x4000  }
0x2d: {  	[sflag:s15] =	ssyncset.done $0x0  }
0x2e: {  	s22 =	rddreg [dreg:$0x5];
	[sflag:s15] =	ssyncadd.s32 $0xFFFFC000  }
0x2f: {  	[spmem:s22] =	stream.linear.scatter [tilespmem:s14], [sflag:$0x3], $0x4000, $0x38;
	[tilespmem:$0x1D000] =	vst v63  }
0x30: {  	_ =	swait.ge [sflag:s15], $0x4000  }
0x31: {  	[sflag:s15] =	ssyncset.done $0x0  }
0x32: {  	s2 =	rddreg [dreg:$0x6];
	[sflag:s15] =	ssyncadd.s32 $0xFFFFC000  }
0x33: {  	[spmem:s2] =	stream.linear.scatter [tilespmem:s14], [sflag:$0x3], $0x4000, $0x38;
	[tilespmem:$0x1D000] =	vst v63  }
0x34: {  	_ =	swait.ge [sflag:s15], $0x4000  }
0x35: {  	[sflag:s15] =	ssyncset.done $0x0  }
0x36: {  	s8 =	rddreg [dreg:$0x7];
	[sflag:s15] =	ssyncadd.s32 $0xFFFFC000  }
0x37: {  	[spmem:s8] =	stream.linear.scatter [tilespmem:s14], [sflag:$0x3], $0x4000, $0x38;
	[tilespmem:$0x1D000] =	vst v63  }
0x38: {  	_ =	swait.ge [sflag:s15], $0x4000  }
0x39: {  	[sflag:s15] =	ssyncset.done $0x0  }
0x3a: {  	s22 =	rddreg [dreg:$0x8];
	[sflag:s15] =	ssyncadd.s32 $0xFFFFC000  }
0x3b: {  	[spmem:s22] =	stream.linear.scatter [tilespmem:s14], [sflag:$0x3], $0x4000, $0x38;
	[tilespmem:$0x1D000] =	vst v63  }
0x3c: {  	_ =	swait.ge [sflag:s15], $0x4000  }
0x3d: {  	[sflag:s15] =	ssyncset.done $0x0  }
0x3e: {  	[sflag:s15] =	ssyncadd.s32 $0xFFFFC000  }
0x3f: {  	[bflag:$0x0] =	sbarrier.arrive $0xFFFF  }
0x40: {  	s0 =	simm.s32 $0x0;
	s30 =	rddreg [dreg:$0xc]  }
0x41: {  	s2 =	simm.s32 $0x580;
	s8 =	simm.s32 $0xD80;
	s31 =	rddreg [dreg:$0xb]  }
.LBB2_4:
0x42: {  	[tilespmem:s4], [sflag:$0x3] =	stream.linear.gather [hbm4b:s30+s4], $0x800, $0x38;
	[tilespmem:$0x1D000] =	vst v63  }
0x43: {  	_ =	swait.ge [sflag:s15], $0x800  }
0x44: {  	[sflag:s15] =	ssyncset.done $0x0  }
0x45: {  	[sflag:s15] =	ssyncadd.s32 $0xFFFFF800  }
0x46: {  	[tilespmem:s16], [sflag:$0x3] =	stream.linear.gather [hbm4b:s31+s4], $0x800, $0x38;
	[tilespmem:$0x1D000] =	vst v63  }
0x47: {  	_ =	swait.ge [sflag:s15], $0x800  }
0x48: {  	[sflag:s15] =	ssyncset.done $0x0  }
0x49: {  	[sflag:s15] =	ssyncadd.s32 $0xFFFFF800  }
0x4a: {  	[tilespmem:s14], [sflag:$0x1] =	stream.indirect.gather [hbm4b:s1+s17], $0x80, s4, s17, $0xb8;
	[tilespmem:$0x1D000] =	vst v63  }
0x4b: {  	_ = 	snop  }
0x4c: {  	[tilespmem:s18], [sflag:$0x2] =	stream.indirect.gather [hbm4b:s1+s17], $0x80, s17, s17, $0xb8;
	[tilespmem:$0x1D000] =	vst v63  }
0x4d: {  	_ =	swait.ge [sflag:s19], $0x4000  }
0x4e: {  	[sflag:s19] =	ssyncset.done $0x0  }
0x4f: {  	[sflag:s19] =	ssyncadd.s32 $0xFFFFC000  }
0x50: {  	[spmem:s3] =	stream.indirect.scatter.add.f32 [tilespmem:s14], [sflag:$0x3], $0x80, s16, s17, $0xb8;
	[tilespmem:$0x1D000] =	vst v63  }
0x51: {  	_ =	swait.ge [sflag:s15], $0x4000  }
0x52: {  	[sflag:s15] =	ssyncset.done $0x0  }
0x53: {  	s22 =	simm.s32 $0x100;
	[sflag:s15] =	ssyncadd.s32 $0xFFFFC000  }
0x54: {  	[tilespmem:s14], [sflag:$0x1] =	stream.indirect.gather [hbm4b:s1+s17], $0x80, s22, s17, $0xb8;
	[tilespmem:$0x1D000] =	vst v63  }
0x55: {  	_ =	swait.ge [sflag:s21], $0x4000  }
0x56: {  	[sflag:s21] =	ssyncset.done $0x0  }
0x57: {  	s22 =	simm.s32 $0x880;
	[sflag:s21] =	ssyncadd.s32 $0xFFFFC000  }
0x58: {  	[spmem:s3] =	stream.indirect.scatter.add.f32 [tilespmem:s18], [sflag:$0x3], $0x80, s22, s17, $0xb8;
	[tilespmem:$0x1D000] =	vst v63  }
0x59: {  	_ =	swait.ge [sflag:s15], $0x4000  }
0x5a: {  	[sflag:s15] =	ssyncset.done $0x0  }
0x5b: {  	s22 =	simm.s32 $0x180;
	[sflag:s15] =	ssyncadd.s32 $0xFFFFC000  }
0x5c: {  	[tilespmem:s18], [sflag:$0x2] =	stream.indirect.gather [hbm4b:s1+s17], $0x80, s22, s17, $0xb8;
	[tilespmem:$0x1D000] =	vst v63  }
0x5d: {  	_ =	swait.ge [sflag:s19], $0x4000  }
0x5e: {  	[sflag:s19] =	ssyncset.done $0x0  }
0x5f: {  	s22 =	simm.s32 $0x900;
	[sflag:s19] =	ssyncadd.s32 $0xFFFFC000  }
0x60: {  	[spmem:s3] =	stream.indirect.scatter.add.f32 [tilespmem:s14], [sflag:$0x3], $0x80, s22, s17, $0xb8;
	[tilespmem:$0x1D000] =	vst v63  }
0x61: {  	_ =	swait.ge [sflag:s15], $0x4000  }
0x62: {  	[sflag:s15] =	ssyncset.done $0x0  }
0x63: {  	s22 =	simm.s32 $0x200;
	[sflag:s15] =	ssyncadd.s32 $0xFFFFC000  }
0x64: {  	[tilespmem:s14], [sflag:$0x1] =	stream.indirect.gather [hbm4b:s1+s17], $0x80, s22, s17, $0xb8;
	[tilespmem:$0x1D000] =	vst v63  }
0x65: {  	_ =	swait.ge [sflag:s21], $0x4000  }
0x66: {  	[sflag:s21] =	ssyncset.done $0x0  }
0x67: {  	s22 =	simm.s32 $0x980;
	[sflag:s21] =	ssyncadd.s32 $0xFFFFC000  }
0x68: {  	[spmem:s3] =	stream.indirect.scatter.add.f32 [tilespmem:s18], [sflag:$0x3], $0x80, s22, s17, $0xb8;
	[tilespmem:$0x1D000] =	vst v63  }
0x69: {  	_ =	swait.ge [sflag:s15], $0x4000  }
0x6a: {  	[sflag:s15] =	ssyncset.done $0x0  }
0x6b: {  	s22 =	simm.s32 $0x280;
	[sflag:s15] =	ssyncadd.s32 $0xFFFFC000  }
0x6c: {  	[tilespmem:s18], [sflag:$0x2] =	stream.indirect.gather [hbm4b:s1+s17], $0x80, s22, s17, $0xb8;
	[tilespmem:$0x1D000] =	vst v63  }
0x6d: {  	_ =	swait.ge [sflag:s19], $0x4000  }
0x6e: {  	[sflag:s19] =	ssyncset.done $0x0  }
0x6f: {  	s22 =	simm.s32 $0xA00;
	[sflag:s19] =	ssyncadd.s32 $0xFFFFC000  }
0x70: {  	[spmem:s3] =	stream.indirect.scatter.add.f32 [tilespmem:s14], [sflag:$0x3], $0x80, s22, s17, $0xb8;
	[tilespmem:$0x1D000] =	vst v63  }
0x71: {  	_ =	swait.ge [sflag:s15], $0x4000  }
0x72: {  	[sflag:s15] =	ssyncset.done $0x0  }
0x73: {  	s22 =	simm.s32 $0x300;
	[sflag:s15] =	ssyncadd.s32 $0xFFFFC000  }
0x74: {  	[tilespmem:s14], [sflag:$0x1] =	stream.indirect.gather [hbm4b:s1+s17], $0x80, s22, s17, $0xb8;
	[tilespmem:$0x1D000] =	vst v63  }
0x75: {  	_ =	swait.ge [sflag:s21], $0x4000  }
0x76: {  	[sflag:s21] =	ssyncset.done $0x0  }
0x77: {  	s22 =	simm.s32 $0xA80;
	[sflag:s21] =	ssyncadd.s32 $0xFFFFC000  }
0x78: {  	[spmem:s3] =	stream.indirect.scatter.add.f32 [tilespmem:s18], [sflag:$0x3], $0x80, s22, s17, $0xb8;
	[tilespmem:$0x1D000] =	vst v63  }
0x79: {  	_ =	swait.ge [sflag:s15], $0x4000  }
0x7a: {  	[sflag:s15] =	ssyncset.done $0x0  }
0x7b: {  	s22 =	simm.s32 $0x380;
	[sflag:s15] =	ssyncadd.s32 $0xFFFFC000  }
0x7c: {  	[tilespmem:s18], [sflag:$0x2] =	stream.indirect.gather [hbm4b:s1+s17], $0x80, s22, s17, $0xb8;
	[tilespmem:$0x1D000] =	vst v63  }
0x7d: {  	_ =	swait.ge [sflag:s19], $0x4000  }
0x7e: {  	[sflag:s19] =	ssyncset.done $0x0  }
0x7f: {  	s22 =	simm.s32 $0xB00;
	[sflag:s19] =	ssyncadd.s32 $0xFFFFC000  }
0x80: {  	[spmem:s3] =	stream.indirect.scatter.add.f32 [tilespmem:s14], [sflag:$0x3], $0x80, s22, s17, $0xb8;
	[tilespmem:$0x1D000] =	vst v63  }
0x81: {  	_ =	swait.ge [sflag:s15], $0x4000  }
0x82: {  	[sflag:s15] =	ssyncset.done $0x0  }
0x83: {  	[sflag:s15] =	ssyncadd.s32 $0xFFFFC000  }
0x84: {  	[tilespmem:s14], [sflag:$0x1] =	stream.indirect.gather [hbm4b:s1+s17], $0x80, s23, s17, $0xb8;
	[tilespmem:$0x1D000] =	vst v63  }
0x85: {  	_ =	swait.ge [sflag:s21], $0x4000  }
0x86: {  	[sflag:s21] =	ssyncset.done $0x0  }
0x87: {  	[sflag:s21] =	ssyncadd.s32 $0xFFFFC000  }
0x88: {  	[spmem:s3] =	stream.indirect.scatter.add.f32 [tilespmem:s18], [sflag:$0x3], $0x80, s24, s17, $0xb8;
	[tilespmem:$0x1D000] =	vst v63  }
0x89: {  	_ =	swait.ge [sflag:s15], $0x4000  }
0x8a: {  	[sflag:s15] =	ssyncset.done $0x0  }
0x8b: {  	[sflag:s15] =	ssyncadd.s32 $0xFFFFC000  }
0x8c: {  	[tilespmem:s18], [sflag:$0x2] =	stream.indirect.gather [hbm4b:s1+s17], $0x80, s25, s17, $0xb8;
	[tilespmem:$0x1D000] =	vst v63  }
0x8d: {  	_ =	swait.ge [sflag:s19], $0x4000  }
0x8e: {  	[sflag:s19] =	ssyncset.done $0x0  }
0x8f: {  	[sflag:s19] =	ssyncadd.s32 $0xFFFFC000  }
0x90: {  	[spmem:s3] =	stream.indirect.scatter.add.f32 [tilespmem:s14], [sflag:$0x3], $0x80, s26, s17, $0xb8;
	[tilespmem:$0x1D000] =	vst v63  }
0x91: {  	_ =	swait.ge [sflag:s15], $0x4000  }
0x92: {  	[sflag:s15] =	ssyncset.done $0x0  }
0x93: {  	[sflag:s15] =	ssyncadd.s32 $0xFFFFC000  }
0x94: {  	[tilespmem:s14], [sflag:$0x1] =	stream.indirect.gather [hbm4b:s1+s17], $0x80, s28, s17, $0xb8;
	[tilespmem:$0x1D000] =	vst v63  }
0x95: {  	_ =	swait.ge [sflag:s21], $0x4000  }
0x96: {  	[sflag:s21] =	ssyncset.done $0x0  }
0x97: {  	[sflag:s21] =	ssyncadd.s32 $0xFFFFC000  }
0x98: {  	[spmem:s3] =	stream.indirect.scatter.add.f32 [tilespmem:s18], [sflag:$0x3], $0x80, s29, s17, $0xb8;
	[tilespmem:$0x1D000] =	vst v63  }
0x99: {  	_ =	swait.ge [sflag:s15], $0x4000  }
0x9a: {  	[sflag:s15] =	ssyncset.done $0x0  }
0x9b: {  	[sflag:s15] =	ssyncadd.s32 $0xFFFFC000  }
0x9c: {  	[tilespmem:s18], [sflag:$0x2] =	stream.indirect.gather [hbm4b:s1+s17], $0x80, s2, s17, $0xb8;
	[tilespmem:$0x1D000] =	vst v63  }
0x9d: {  	_ =	swait.ge [sflag:s19], $0x4000  }
0x9e: {  	[sflag:s19] =	ssyncset.done $0x0  }
0x9f: {  	[sflag:s19] =	ssyncadd.s32 $0xFFFFC000  }
0xa0: {  	[spmem:s3] =	stream.indirect.scatter.add.f32 [tilespmem:s14], [sflag:$0x3], $0x80, s6, s17, $0xb8;
	[tilespmem:$0x1D000] =	vst v63  }
0xa1: {  	_ =	swait.ge [sflag:s15], $0x4000  }
0xa2: {  	[sflag:s15] =	ssyncset.done $0x0  }
0xa3: {  	[sflag:s15] =	ssyncadd.s32 $0xFFFFC000  }
0xa4: {  	[tilespmem:s14], [sflag:$0x1] =	stream.indirect.gather [hbm4b:s1+s17], $0x80, s7, s17, $0xb8;
	[tilespmem:$0x1D000] =	vst v63  }
0xa5: {  	_ =	swait.ge [sflag:s21], $0x4000  }
0xa6: {  	[sflag:s21] =	ssyncset.done $0x0  }
0xa7: {  	[sflag:s21] =	ssyncadd.s32 $0xFFFFC000  }
0xa8: {  	[spmem:s3] =	stream.indirect.scatter.add.f32 [tilespmem:s18], [sflag:$0x3], $0x80, s8, s17, $0xb8;
	[tilespmem:$0x1D000] =	vst v63  }
0xa9: {  	_ =	swait.ge [sflag:s15], $0x4000  }
0xaa: {  	[sflag:s15] =	ssyncset.done $0x0  }
0xab: {  	[sflag:s15] =	ssyncadd.s32 $0xFFFFC000  }
0xac: {  	[tilespmem:s18], [sflag:$0x2] =	stream.indirect.gather [hbm4b:s1+s17], $0x80, s9, s17, $0xb8;
	[tilespmem:$0x1D000] =	vst v63  }
0xad: {  	_ =	swait.ge [sflag:s19], $0x4000  }
0xae: {  	[sflag:s19] =	ssyncset.done $0x0  }
0xaf: {  	[sflag:s19] =	ssyncadd.s32 $0xFFFFC000  }
0xb0: {  	[spmem:s3] =	stream.indirect.scatter.add.f32 [tilespmem:s14], [sflag:$0x3], $0x80, s10, s17, $0xb8;
	[tilespmem:$0x1D000] =	vst v63  }
0xb1: {  	_ =	swait.ge [sflag:s15], $0x4000  }
0xb2: {  	[sflag:s15] =	ssyncset.done $0x0  }
0xb3: {  	[sflag:s15] =	ssyncadd.s32 $0xFFFFC000  }
0xb4: {  	[tilespmem:s14], [sflag:$0x1] =	stream.indirect.gather [hbm4b:s1+s17], $0x80, s11, s17, $0xb8;
	[tilespmem:$0x1D000] =	vst v63  }
0xb5: {  	_ =	swait.ge [sflag:s21], $0x4000  }
0xb6: {  	[sflag:s21] =	ssyncset.done $0x0  }
0xb7: {  	[sflag:s21] =	ssyncadd.s32 $0xFFFFC000  }
0xb8: {  	[spmem:s3] =	stream.indirect.scatter.add.f32 [tilespmem:s18], [sflag:$0x3], $0x80, s12, s17, $0xb8;
	[tilespmem:$0x1D000] =	vst v63  }
0xb9: {  	_ =	swait.ge [sflag:s15], $0x4000  }
0xba: {  	[sflag:s15] =	ssyncset.done $0x0  }
0xbb: {  	[sflag:s15] =	ssyncadd.s32 $0xFFFFC000  }
0xbc: {  	[tilespmem:s18], [sflag:$0x2] =	stream.indirect.gather [hbm4b:s1+s17], $0x80, s13, s17, $0xb8;
	[tilespmem:$0x1D000] =	vst v63  }
0xbd: {  	_ =	swait.ge [sflag:s19], $0x4000  }
0xbe: {  	[sflag:s19] =	ssyncset.done $0x0  }
0xbf: {  	[sflag:s19] =	ssyncadd.s32 $0xFFFFC000  }
0xc0: {  	[spmem:s3] =	stream.indirect.scatter.add.f32 [tilespmem:s14], [sflag:$0x3], $0x80, s5, s17, $0xb8;
	[tilespmem:$0x1D000] =	vst v63  }
0xc1: {  	_ =	swait.ge [sflag:s15], $0x4000  }
0xc2: {  	[sflag:s15] =	ssyncset.done $0x0  }
0xc3: {  	[sflag:s15] =	ssyncadd.s32 $0xFFFFC000  }
0xc4: {  	p1 =	slt.u32 @!p0 s0, $0x8;
	_ =	swait.ge [sflag:s21], $0x4000  }
0xc5: {  	p1 =	por p0, !p1;
	[sflag:s21] =	ssyncset.done $0x0  }
.Ltmp1:
0xc6: {  	[sflag:s21] =	ssyncadd.s32 $0xFFFFC000;
	(pc) =	sbr.rel @!p1 .LBB2_4-.Ltmp1, $4  }
0xc7: {  	[spmem:s3] =	stream.indirect.scatter.add.f32 [tilespmem:s18], [sflag:$0x3], $0x80, s20, s17, $0xb8;
	[tilespmem:$0x1D000] =	vst v63  }
0xc8: {  	_ =	swait.ge [sflag:s15], $0x4000  }
0xc9: {  	s0 =	sadd.s32 $0x1, s0;
	[sflag:s15] =	ssyncset.done $0x0  }
0xca: {  	s30 =	sadd.s32 $0x100, s30;
	s31 =	sadd.s32 $0x100, s31;
	[sflag:s15] =	ssyncadd.s32 $0xFFFFC000  }
0xcb: {  	s0 =	stileid.u32;
	[bflag:$0x0] =	sbarrier.arrive $0xFFFF  }
0xcc: {  	s0 =	sshll.u32 s0, $0x6;
	s8 =	rddreg [dreg:$0x4]  }
0xcd: {  	s31 =	rddreg [dreg:$0x9];
	s0 =	sor.u32 $0x1C03, s0;
	s30 =	sshrl.u32 s8, $0x3  }
0xce: {  	[hbm:s31], [sflag:s0] =	dma.local [spmem:s30], $0x2800  }
0xcf: {  	_ =	swait.ge [sflag:s15], $0x2800  }
0xd0: {  	s2 =	rddreg [dreg:$0xd]  }
0xd1: {  	s31 =	rddreg [dreg:$0xa];
	s2 =	sadd.s32 $0x1, s2  }
0xd2: {  	p1 =	sne.s32 s2, s31  }
.Ltmp2:
0xd3: {  	_ = 	snop;
	(pc) =	sbr.rel @p1 .LBB2_1-.Ltmp2, $3  }
0xd4: {  	_ =	sdelay $0x1  }
0xd5: {  	[sflag:s15] =	ssyncset.done $0x0  }
0xd6: {  	[sflag:s15] =	ssyncadd.s32 $0xFFFFD800  }
0xd7: {  	_ =	sfence.sel $0x180000  }
0xd8: {  	[bflag:$0x0] =	sbarrier.arrive $0xFFFF  }
0xd9: {  	_ =	strace $0x9000004A  }
0xda: {  	s0 =	stileid.u32;
	[bflag:$0x2] =	sbarrier.arrive $0xFFFF  }
0xdb: {  	p0 =	sne.s32 s0, $0x0;
	s0 =	rddreg [dreg:$0x3]  }
0xdc: {  	s0 =	sadd.s32 @!p0 $0x100000, s0  }
0xdd: {  	[sflag:s0] =	ssyncadd.tile.s32 @!p0 $0x1;
	_ =	shalt  }
.Lfunc_end2:
_tile_overlayer_lowered:
.L_overlay_start_2:
0xde: {  	(tag) =	ssettag $0x2  }
0xdf: {  	s0 =	rddreg [dreg:$0x0];
	s2 =	stileid.u32  }
0xe0: {  	s1 =	rddreg [dreg:$0x1];
	p0 =	sne.s32 s2, $0x0  }
0xe1: {  	s3 =	rddreg [dreg:$0x2];
	[bflag:$0x3] =	sbarrier.arrive $0xFFFF;
	s2 =	simm.s32 @!p0 $0x1C03  }
0xe2: {  	[timem:s3], [sflag:s2] =	dma.local @!p0 [hbm:s0], s1  }
0xe3: {  	s0 =	simm.s32 @!p0 $0x3  }
0xe4: {  	_ =	swait.ge @!p0 [sflag:s0], s1  }
0xe5: {  	s1 =	ssub.s32 @!p0 $0x0, s1;
	[sflag:s0] =	ssyncset.done @!p0 $0x0  }
0xe6: {  	[sflag:s0] =	ssyncadd.s32 @!p0 s1  }
0xe7: {  	[bflag:$0x3] =	sbarrier.arrive $0xFFFF  }
0xe8: {  	_ =	shalt  }

// kernel: kernel.7.cloned.1.call-start
scs
__scs_entry_jumppad:
0x0: {  	(pc) =	sbr.rel $0x88, $3  }
0x1: {  	(tag) =	ssettag $0x0;
	lr =	simm.s32 $0x1  }
0x2: {  	[smem:$0x3F9B] =	sst lr;
	_ =	strace $0xD0000000  }
0x3: {  	_ = 	snop  }
0x4: {  	_ = 	snop  }
0x5: {  	_ = 	snop  }
0x6: {  	_ = 	snop  }
0x7: {  	_ = 	snop  }
__scs_overlays_trampoline_lowered:
0x8: {  	[smem:$0x3FAA] =	sst s0  }
0x9: {  	[smem:$0x3FAB] =	sst s1  }
0xa: {  	[smem:$0x3FAC] =	sst s2  }
0xb: {  	[smem:$0x3FAD] =	sst s3  }
0xc: {  	[smem:$0x3FAE] =	sst s4  }
0xd: {  	[smem:$0x3FAF] =	sst s5  }
0xe: {  	[smem:$0x3FB0] =	sst s6  }
0xf: {  	[smem:$0x3FB1] =	sst s7  }
0x10: {  	[smem:$0x3FB2] =	sst s8  }
0x11: {  	[smem:$0x3FB3] =	sst s9;
	s0 =	simm.s32 @!p0 $0x0  }
0x12: {  	s1 =	sld [smem:$0x3F99];
	s0 =	simm.s32 @p0 $0x1  }
0x13: {  	[smem:$0x3FB4] =	sst s0;
	s0 =	simm.s32 @!p1 $0x0  }
0x14: {  	s2 =	sld [smem:$0x3F98];
	s0 =	simm.s32 @p1 $0x1  }
0x15: {  	[smem:$0x3FB5] =	sst s0;
	s0 =	simm.s32 @!p2 $0x0  }
0x16: {  	s3 =	sld [smem:$0x3FDB];
	s0 =	simm.s32 @p2 $0x1  }
0x17: {  	s4 =	simm.s32 $0x1BF5;
	[smem:$0x3FB7] =	sst s0  }
0x18: {  	s0 =	sld [smem:$0x3F9A];
	_ =	swait.ge [sflag:s4], $0x0  }
0x19: {  	s7 =	sld [smem:$0x3F9B]  }
0x1a: {  	s8 =	sadd.s32 $0xFFFFE003, lr  }
0x1b: {  	s9 =	sadd.s32 $0xFFFFFEF7, lr;
	s5 =	simm.s32 $0xFFFFFFFF;
	p2 =	slt.u32 s8, $0xFFFFF086  }
0x1c: {  	p1 =	slt.u32 s9, $0xF7A;
	s5 =	simm.s32 @!p2 $0x0  }
0x1d: {  	s5 =	simm.s32 @p1 $0x1;
	p0 =	seq.s32 s7, s2  }
0x1e: {  	s7 =	smul.u32 @!p0 $0xF7A, s2;
	p2 =	seq.s32 @!p0 s5, $0x0  }
0x1f: {  	s9 =	smul.u32 $0xF7A, s1;
	s8 =	simm.s32 @!p0 $0x1BF5;
	p2 =	por !p2, p0  }
0x20: {  	[sflag:s8] =	ssyncset.s32 @!p0 $0xFFFFF086;
	s6 =	sadd.s32 @!p0 s3, s7;
	s7 =	simm.s32 @!p0 $0x108  }
0x21: {  	s3 =	sadd.s32 s3, s9;
	s6 =	sadd.s32 @!p0 $0x88, s6;
	s7 =	simm.s32 @p2 $0x1082  }
0x22: {  	[simem:s7], [sflag:s8] =	dma.local @!p0 [hbm:s6], $0xF7A  }
0x23: {  	s9 =	sor.u32 $0xD0000000, s2;
	s6 =	simm.s32 $0x108;
	_ =	swait.ge @!p0 [sflag:s8], $0x0  }
0x24: {  	s3 =	sadd.s32 $0x88, s3;
	s6 =	simm.s32 @!p1 $0x1082;
	[sflag:s4] =	ssyncset.s32 $0xFFFFF086  }
0x25: {  	[simem:s6], [sflag:s4] =	dma.local [hbm:s3], $0xF7A  }
0x26: {  	[smem:$0x3F9B] =	sst s1;
	(tag) =	ssettag s2;
	_ =	strace s9  }
0x27: {  	s1 =	sld [smem:$0x3FAB]  }
0x28: {  	s2 =	sld [smem:$0x3FAC]  }
0x29: {  	s4 =	sld [smem:$0x3FAE]  }
0x2a: {  	p0 =	seq.s32 s5, $0x0;
	s5 =	sld [smem:$0x3FAF]  }
0x2b: {  	s6 =	sld [smem:$0x3FB0]  }
0x2c: {  	s7 =	sld [smem:$0x3FB1]  }
0x2d: {  	s3 =	simm.s32 $0x108;
	s8 =	sld [smem:$0x3FB2]  }
0x2e: {  	s3 =	simm.s32 @!p0 $0x1082;
	s9 =	sld [smem:$0x3FB3]  }
0x2f: {  	lr =	sadd.s32 s0, s3;
	s0 =	sld [smem:$0x3FAA]  }
0x30: {  	s3 =	sld [smem:$0x3FAD]  }
0x31: {  	[smem:$0x3FB6] =	sst s10  }
0x32: {  	s10 =	sld [smem:$0x3FB4];
	_ =	sdelay $0x3  }
0x33: {  	p0 =	seq.s32 s10, $0x1;
	s10 =	sld [smem:$0x3FB6];
	_ =	sdelay $0x3  }
0x34: {  	[smem:$0x3FB6] =	sst s10  }
0x35: {  	s10 =	sld [smem:$0x3FB5];
	_ =	sdelay $0x3  }
0x36: {  	p1 =	seq.s32 s10, $0x1;
	s10 =	sld [smem:$0x3FB6];
	_ =	sdelay $0x3  }
0x37: {  	[smem:$0x3FB6] =	sst s10  }
0x38: {  	s10 =	sld [smem:$0x3FB7]  }
0x39: {  	_ = 	snop;
	(pc) =	sbr.ind lr, $3  }
0x3a: {  	_ = 	snop  }
0x3b: {  	_ = 	snop  }
0x3c: {  	p2 =	seq.s32 s10, $0x1;
	s10 =	sld [smem:$0x3FB6]  }
0x3d: {  	_ =	shalt  }
0x3e: {  	_ =	shalt  }
0x3f: {  	_ =	shalt  }
0x40: {  	_ =	shalt  }
0x41: {  	_ =	shalt  }
0x42: {  	_ =	shalt  }
0x43: {  	_ =	shalt  }
0x44: {  	_ =	shalt  }
0x45: {  	_ =	shalt  }
0x46: {  	_ =	shalt  }
0x47: {  	_ =	shalt  }
0x48: {  	_ =	shalt  }
0x49: {  	_ =	shalt  }
0x4a: {  	_ =	shalt  }
0x4b: {  	_ =	shalt  }
0x4c: {  	_ =	shalt  }
0x4d: {  	_ =	shalt  }
0x4e: {  	_ =	shalt  }
0x4f: {  	_ =	shalt  }
0x50: {  	_ =	shalt  }
0x51: {  	_ =	shalt  }
0x52: {  	_ =	shalt  }
0x53: {  	_ =	shalt  }
0x54: {  	_ =	shalt  }
0x55: {  	_ =	shalt  }
0x56: {  	_ =	shalt  }
0x57: {  	_ =	shalt  }
0x58: {  	_ =	shalt  }
0x59: {  	_ =	shalt  }
0x5a: {  	_ =	shalt  }
0x5b: {  	_ =	shalt  }
0x5c: {  	_ =	shalt  }
0x5d: {  	_ =	shalt  }
0x5e: {  	_ =	shalt  }
0x5f: {  	_ =	shalt  }
0x60: {  	_ =	shalt  }
0x61: {  	_ =	shalt  }
0x62: {  	_ =	shalt  }
0x63: {  	_ =	shalt  }
0x64: {  	_ =	shalt  }
0x65: {  	_ =	shalt  }
0x66: {  	_ =	shalt  }
0x67: {  	_ =	shalt  }
0x68: {  	_ =	shalt  }
0x69: {  	_ =	shalt  }
0x6a: {  	_ =	shalt  }
0x6b: {  	_ =	shalt  }
0x6c: {  	_ =	shalt  }
0x6d: {  	_ =	shalt  }
0x6e: {  	_ =	shalt  }
0x6f: {  	_ =	shalt  }
0x70: {  	_ =	shalt  }
0x71: {  	_ =	shalt  }
0x72: {  	_ =	shalt  }
0x73: {  	_ =	shalt  }
0x74: {  	_ =	shalt  }
0x75: {  	_ =	shalt  }
0x76: {  	_ =	shalt  }
0x77: {  	_ =	shalt  }
0x78: {  	_ =	shalt  }
0x79: {  	_ =	shalt  }
0x7a: {  	_ =	shalt  }
0x7b: {  	_ =	shalt  }
0x7c: {  	_ =	shalt  }
0x7d: {  	_ =	shalt  }
0x7e: {  	_ =	shalt  }
0x7f: {  	_ =	shalt  }
0x80: {  	_ =	shalt  }
0x81: {  	_ =	shalt  }
0x82: {  	_ =	shalt  }
0x83: {  	_ =	shalt  }
0x84: {  	_ =	shalt  }
0x85: {  	_ =	shalt  }
0x86: {  	_ =	shalt  }
0x87: {  	_ =	shalt  }
.Lfunc_end0:
.L_simem_size_0:
called_computation_lowered:
.L_overlay_start_0:
0x88: {  	s2 =	sld [smem:$0x3FD9]  }
0x89: {  	s3 =	sld [smem:$0x3FFE];
	_ =	sdelay $0x1  }
0x8a: {  	s1 =	srdreg.scid  }
0x8b: {  	s0 =	sand.u32 $0x1, s1  }
0x8c: {  	s17 =	sshll.u32 s0, $0xA;
	s2 =	sadd.s32 s3, s2  }
0x8d: {  	s2 =	sadd.s32 s2, s17  }
0x8e: {  	[smem:$0x3FC2] =	sst s2  }
0x8f: {  	_ = 	snop  }
0x90: {  	s2 =	sld [smem:$0x3FD0];
	(tm) =	ssettm $0x1  }
0x91: {  	s18 =	sld [smem:$0x3FFB];
	_ =	sdelay $0x3  }
0x92: {  	_ =	strace s18  }
0x93: {  	s3 =	sld [smem:$0x3FFC];
	_ =	sdelay $0x3  }
0x94: {  	_ =	strace s3  }
0x95: {  	s3 =	sld [smem:$0x3FFD];
	_ =	sdelay $0x3  }
0x96: {  	_ =	strace s3  }
0x97: {  	_ =	strace $0x8FFFFFFF  }
0x98: {  	s19 =	sld [smem:$0x3FDB];
	_ =	sdelay $0x1  }
0x99: {  	s4 =	simm.s32 $_scs_section_size  }
0x9a: {  	s5 =	simm.s32 $_size__tile_overlayer_lowered;
	s6 =	simm.s32 $_tile_overlayer_lowered  }
0x9b: {  	s22 =	simm.s32 $0x1BFF;
	s21 =	sshll.u32 s6, $0x1;
	s3 =	sadd.s32 s4, s19  }
0x9c: {  	s7 =	simm.s32 $0x0;
	s20 =	sshll.u32 s5, $0x1;
	s5 =	sadd.s32 s21, s3  }
0x9d: {  	[timem:s7], [sflag:s22] =	dma.local [hbm:s5], s20  }
0x9e: {  	_ =	swait.ge [sflag:s22], s20  }
0x9f: {  	s4 =	ssub.s32 $0x0, s20;
	[sflag:s22] =	ssyncset.done $0x0  }
0xa0: {  	[sflag:s22] =	ssyncadd.s32 s4;
	_ =	sdelay $0x1  }
0xa1: {  	s23 =	simm.s32 $0x1B8B  }
0xa2: {  	_ =	swait.ge [sflag:s23], $0x1  }
0xa3: {  	[sflag:s23] =	ssyncset.done $0x0  }
0xa4: {  	s25 =	simm.s32 $0x1B8E;
	s24 =	sld [smem:$0x3FFE];
	[sflag:s23] =	ssyncadd.s32 $0xFFFFFFFF  }
0xa5: {  	s26 =	simm.s32 $execute0_lowered;
	[smem:$0x3FD2] =	sst s25  }
0xa6: {  	s5 =	sshll.u32 s26, $0x1;
	_ =	strace $0x80000046;
	[dreg:$0x1] =	wrdreg $0xFFFFFFFF  }
0xa7: {  	s28 =	simm.s32 $_size_execute0_lowered;
	s3 =	sadd.s32 s3, s5;
	[dreg:$0x0] =	wrdreg $0x0  }
0xa8: {  	s5 =	sshll.u32 s28, $0x1;
	[dreg:$0x2] =	wrdreg s3  }
0xa9: {  	[dreg:$0x3] =	wrdreg s5  }
0xaa: {  	[dreg:$0x4] =	wrdreg $0xC0  }
0xab: {  	_ =	task [dreg:s7], $0x5FFFF  }
0xac: {  	[dreg:$0x1] =	wrdreg $0xFFFFFFFF  }
0xad: {  	[dreg:$0x0] =	wrdreg $0x60  }
0xae: {  	[dreg:$0x2] =	wrdreg s24  }
0xaf: {  	[dreg:$0x3] =	wrdreg s2  }
0xb0: {  	[dreg:$0x4] =	wrdreg $0x9  }
0xb1: {  	_ =	task.clear_ibuf [dreg:s7], $0x5FFFF;
	_ =	strace $0x90000046  }
0xb2: {  	s29 =	simm.s32 $0x9;
	_ =	strace $0x80000048  }
0xb3: {  	_ =	swait.ge [sflag:s29], $0x1  }
0xb4: {  	[sflag:s29] =	ssyncadd.s32 $0xFFFFFFFF  }
0xb5: {  	_ =	strace $0x90000048  }
0xb6: {  	_ =	sfence  }
0xb7: {  	s30 =	sld [smem:$0x0];
	_ =	sdelay $0x2  }
0xb8: {  	s31 =	sshll.u32 s1, $0xD;
	s1 =	sshrl.u32 s1, $0x2  }
0xb9: {  	s3 =	sand.u32 $0x4000, s31;
	s1 =	sadd.s32 s1, s30  }
0xba: {  	s0 =	sor.u32 s3, s0;
	s1 =	sshll.u32 s1, $0x11  }
0xbb: {  	s0 =	sor.u32 s1, s0  }
0xbc: {  	s0 =	sadd.s32 $0x8F2B, s0  }
0xbd: {  	[sflag:s0] =	ssyncadd.remote.s32 $0x1  }
0xbe: {  	_ =	sfence.sel $0xFFFF  }
0xbf: {  	[dreg:$0x0] =	wrdreg $0xFFFFFFFF;
	(pc) =	sbr.abs _section_cstart, $3  }
0xc0: {  	[dreg:$0x1] =	wrdreg $0xFFFFFFFF  }
0xc1: {  	_ =	task.clear_ibuf [dreg:s7], $0x2FFFF;
	_ =	strace $0x9FFFFFFF  }
0xc2: {  	(tm) =	ssettm $0x7FFFFFFF  }
0xc3: {  	_ =	shalt  }
tec
execute0_lowered:
.L_overlay_start_1:
0x0: {  	(tag) =	ssettag $0x1  }
0x1: {  	s0 =	srdreg.scid  }
0x2: {  	s4 =	rddreg [dreg:$0x0];
	s3 =	sand.u32 $0x1, s0  }
0x3: {  	s5 =	rddreg [dreg:$0x1];
	s0 =	stileid.u32;
	s1 =	sshll.u32 s3, $0x4  }
0x4: {  	s2 =	simm.s32 $0x0;
	s9 =	simm.s32 $0x400;
	s6 =	sor.u32 s0, s1  }
0x5: {  	s10 =	simm.s32 $0x0;
	[smem:$0x7FF] =	sst s2;
	s7 =	sshrl.u32 s6, $0x3  }
0x6: {  	s8 =	sshll.u32 s0, $0x7;
	s3 =	ssub.s32 $0x2, s3;
	s7 =	smul.u32 $0x14000, s7  }
0x7: {  	s1 =	rddreg [dreg:$0x2];
	s8 =	sand.u32 $0x380, s8;
	s6 =	smul.u32 $0x500, s6  }
0x8: {  	_ =	strace $0x80000047;
	s31 =	sshrl.u32 s3, $0x1;
	s7 =	sor.u32 s8, s7  }
0x9: {  	s4 =	sadd.s32 s6, s4;
	s6 =	ssub.s32 s3, s31;
	s7 =	sshrl.u32 s7, $0x3  }
0xa: {  	s3 =	sadd.s32 $0xBC00, s4;
	s8 =	simm.s32 $0x80;
	s4 =	sadd.s32 s5, s7  }
0xb: {  	v0 =	vimm.f32 $0.0e+00;
	v1 =	vimm.f32 $1.000000000e+00;
	s5 =	smax.u32 s6, $0x1;
	s6 =	simm.s32 $0x1;
	s7 =	simm.s32 $0x2800  }
.LBB2_1:
0xc: {  	s11 =	simm.s32 $0x40;
	s12 =	simm.s32 $0x0  }
.LBB2_2:
0xd: {  	p0 =	sne.s32 s11, $0x9FC0;
	[tilespmem:s12+$0x2800] =	vst v0;
	s12 =	smov.u32 s11;
	s11 =	sadd.s32 $0x40, s11  }
.Ltmp0:
0xe: {  	(pc) =	sbr.rel @p0 .LBB2_2-.Ltmp0, $2  }
0xf: {  	_ =	sdelay $0x2  }
0x10: {  	s12 =	sshra.s32 s12, $0x2  }
0x11: {  	[tilespmem:s12+$0x2800] =	vst v0  }
0x12: {  	[tilespmem:s2], [sflag:$0x1] =	stream.linear.gather [hbm4b:s3+s2], $0x2800, $0x38;
	[tilespmem:$0x5000] =	vst v63  }
0x13: {  	_ =	swait.ge [sflag:s6], $0x2800  }
0x14: {  	[sflag:s6] =	ssyncset.done $0x0  }
0x15: {  	s11 =	simm.s32 $0x1C0;
	[sflag:s6] =	ssyncadd.s32 $0xFFFFD800  }
.LBB2_4:
0x16: {  	s12 =	sshra.s32 s11, $0x2  }
0x17: {  	v2 =	vld [tilespmem:s12+$0xFFFFFF90];
	_ =	sdelay $0x7  }
0x18: {  	[tilespmem:v2+s7+$0x0] =	vst.idx.add.f32.msk $0xffff, v1  }
0x19: {  	v2 =	vld [tilespmem:s12+$0xFFFFFFA0];
	_ =	sdelay $0x7  }
0x1a: {  	[tilespmem:v2+s7+$0x0] =	vst.idx.add.f32.msk $0xffff, v1  }
0x1b: {  	v2 =	vld [tilespmem:s12+$0xFFFFFFB0];
	_ =	sdelay $0x7  }
0x1c: {  	[tilespmem:v2+s7+$0x0] =	vst.idx.add.f32.msk $0xffff, v1  }
0x1d: {  	v2 =	vld [tilespmem:s12+$0xFFFFFFC0];
	_ =	sdelay $0x7  }
0x1e: {  	[tilespmem:v2+s7+$0x0] =	vst.idx.add.f32.msk $0xffff, v1  }
0x1f: {  	v2 =	vld [tilespmem:s12+$0xFFFFFFD0];
	_ =	sdelay $0x7  }
0x20: {  	[tilespmem:v2+s7+$0x0] =	vst.idx.add.f32.msk $0xffff, v1  }
0x21: {  	v2 =	vld [tilespmem:s12+$0xFFFFFFE0];
	_ =	sdelay $0x7  }
0x22: {  	[tilespmem:v2+s7+$0x0] =	vst.idx.add.f32.msk $0xffff, v1  }
0x23: {  	v2 =	vld [tilespmem:s12+$0xFFFFFFF0];
	_ =	sdelay $0x7  }
0x24: {  	[tilespmem:v2+s7+$0x0] =	vst.idx.add.f32.msk $0xffff, v1  }
0x25: {  	v2 =	vld [tilespmem:s12+$0x0];
	_ =	sdelay $0x2  }
0x26: {  	p0 =	sne.s32 s11, $0x9FC0  }
.Ltmp1:
0x27: {  	_ = 	snop;
	(pc) =	sbr.rel @p0 .LBB2_4-.Ltmp1, $2  }
0x28: {  	_ =	sdelay $0x2  }
0x29: {  	s11 =	sadd.s32 $0x200, s11;
	[tilespmem:v2+s7+$0x0] =	vst.idx.add.f32.msk $0xffff, v1  }
0x2a: {  	s10 =	sadd.s32 $0x1, s10  }
0x2b: {  	p0 =	sne.s32 s10, s5  }
.Ltmp2:
0x2c: {  	_ = 	snop;
	(pc) =	sbr.rel @p0 .LBB2_1-.Ltmp2, $4  }
0x2d: {  	[hbm4b:s4+s8] =	stream.strided.scatter [tilespmem:s7], [sflag:$0x1], $0x2800, s9, s8, $0x38;
	[tilespmem:$0x5000] =	vst v63  }
0x2e: {  	_ =	swait.ge [sflag:s6], $0x2800  }
0x2f: {  	[sflag:s6] =	ssyncset.done $0x0  }
0x30: {  	[sflag:s6] =	ssyncadd.s32 $0xFFFFD800  }
0x31: {  	_ =	sfence.sel $0x180000  }
0x32: {  	[bflag:$0x0] =	sbarrier.arrive $0xFFFF  }
0x33: {  	p0 =	sne.s32 s0, $0x0;
	_ =	strace $0x90000047  }
0x34: {  	s0 =	sadd.s32 @!p0 $0x100000, s1;
	[bflag:$0x2] =	sbarrier.arrive $0xFFFF  }
0x35: {  	[sflag:s0] =	ssyncadd.tile.s32 @!p0 $0x1;
	_ =	shalt  }
.Lfunc_end2:
_tile_overlayer_lowered:
.L_overlay_start_2:
0x36: {  	(tag) =	ssettag $0x2  }
0x37: {  	s0 =	rddreg [dreg:$0x0];
	s2 =	stileid.u32  }
0x38: {  	s1 =	rddreg [dreg:$0x1];
	p0 =	sne.s32 s2, $0x0  }
0x39: {  	s3 =	rddreg [dreg:$0x2];
	[bflag:$0x3] =	sbarrier.arrive $0xFFFF;
	s2 =	simm.s32 @!p0 $0x1C01  }
0x3a: {  	[timem:s3], [sflag:s2] =	dma.local @!p0 [hbm:s0], s1  }
0x3b: {  	s0 =	simm.s32 @!p0 $0x1  }
0x3c: {  	_ =	swait.ge @!p0 [sflag:s0], s1  }
0x3d: {  	s1 =	ssub.s32 @!p0 $0x0, s1;
	[sflag:s0] =	ssyncset.done @!p0 $0x0  }
0x3e: {  	[sflag:s0] =	ssyncadd.s32 @!p0 s1  }
0x3f: {  	[bflag:$0x3] =	sbarrier.arrive $0xFFFF  }
0x40: {  	_ =	shalt  }

</sc_bundles>
